<compile_context>
chip_gen: v7x
topology: tpu7x:2x2x1
jax: 0.10.2.dev20260603
libtpu: 0.0.44.dev20260713+nightly
codegen_flags: <defaults>
</compile_context>

<pallas_src>
import jax
import jax.numpy as jnp
from jax import lax
from jax.experimental import pallas as pl
from jax.experimental.pallas import tpu as pltpu
from jax.experimental.pallas import tpu_sc as plsc

HALF = 384
B, L = 1024, 50
NC, NS = 2, 16
NW = NC * NS
BB = B // 128
CPW = 2 * L * BB // NW


def _sc_gather(table, tok):
    mesh = plsc.VectorSubcoreMesh(core_axis_name="c", subcore_axis_name="s")

    @pl.kernel(
        out_type=jax.ShapeDtypeStruct((L, B, 2 * HALF), jnp.float32),
        mesh=mesh,
        scratch_types=[
            pltpu.VMEM((CPW, 128), jnp.int32),
            pltpu.VMEM((2, 128, HALF), jnp.float32),
            pltpu.SemaphoreType.DMA,
            pltpu.SemaphoreType.DMA,
            pltpu.SemaphoreType.DMA,
            pltpu.SemaphoreType.DMA,
        ],
    )
    def k(table_hbm, tok_hbm, out_hbm, idx_v, buf_v, g0, g1, s0, s1):
        wid = lax.axis_index("c") * NS + lax.axis_index("s")
        half = wid // NS
        c0 = wid * CPW

        pltpu.sync_copy(tok_hbm.at[wid], idx_v)
        bias = jnp.full((16,), half * 512, dtype=jnp.int32)

        @pl.loop(0, CPW)
        def _bias(r):
            for q in range(8):
                sl = pl.ds(q * 16, 16)
                idx_v[r, sl] = idx_v[r, sl] + bias

        gsem = (g0, g1)
        ssem = (s0, s1)

        def start_gather(i, bb):
            pltpu.async_copy(table_hbm.at[idx_v.at[i]], buf_v.at[bb],
                             gsem[bb])

        def start_scatter(i, bb):
            r = c0 + i - half * (L * BB)
            l = r // BB
            blk = lax.rem(r, BB)
            return pltpu.async_copy(
                buf_v.at[bb],
                out_hbm.at[l, pl.ds(blk * 128, 128),
                           pl.ds(half * HALF, HALF)],
                ssem[bb])

        def wait_gather(bb):
            pltpu.make_async_copy(table_hbm.at[pl.ds(0, 128)],
                                  buf_v.at[bb], gsem[bb]).wait()

        def wait_scatter(bb):
            pltpu.make_async_copy(
                buf_v.at[bb],
                out_hbm.at[0, pl.ds(0, 128), pl.ds(0, HALF)],
                ssem[bb]).wait()

        start_gather(0, 0)
        start_gather(1, 1)
        wait_gather(0)
        start_scatter(0, 0)
        wait_scatter(0)
        start_gather(2, 0)
        wait_gather(1)
        start_scatter(1, 1)

        @pl.loop(2, CPW - 1, step=2)
        def _pipe(base):
            for t in range(2):
                i = base + t
                wait_scatter(1 - t)
                start_gather(i + 1, 1 - t)
                wait_gather(t)
                start_scatter(i, t)

        wait_scatter(1)
        wait_gather(0)
        start_scatter(CPW - 1, 0)
        wait_scatter(0)

    return k(table, tok)


def kernel(token, row_embed, col_embed):
    table = jnp.concatenate([row_embed, col_embed], axis=0)
    tok = token.astype(jnp.int32).transpose(2, 1, 0).reshape(NW, CPW, 128)
    out = _sc_gather(table, tok)
    return out.transpose(1, 0, 2)

# --- scband reference (transcript-rebuilt; emitter-appended) ---
"""Pipeline reference for scband-fixation-embedding-learned2d-24249385353326 (READ-ONLY COPY).

The authoritative reference and input builder live on the scoring server;
editing this copy changes nothing except your own understanding.
"""

import jax, jax.numpy as jnp
import numpy as np

H, W = 512, 512
HIDDEN = 768
B, L = 1024, 50

def setup_inputs(seed: int = 0) -> dict:
    key = jax.random.key(seed)
    k1, k2, k3 = jax.random.split(key, 3)
    token = jax.random.randint(k1, (B, L, 2), 0, min(H, W), dtype=jnp.int64)
    # learned embedding tables, initialized uniform [0,1) per nn.init.uniform_
    row_embed = jax.random.uniform(k2, (H, HIDDEN // 2), dtype=jnp.float32)
    col_embed = jax.random.uniform(k3, (W, HIDDEN // 2), dtype=jnp.float32)
    return {"token": token, "row_embed": row_embed, "col_embed": col_embed}

def reference(token, row_embed, col_embed):
    # col_embed(token[:, :, 1]); row_embed(token[:, :, 0])
    x_emb = jnp.take(col_embed, token[:, :, 1], axis=0)
    y_emb = jnp.take(row_embed, token[:, :, 0], axis=0)
    pos = jnp.concatenate([y_emb, x_emb], axis=-1)
    return pos

if __name__ == "__main__":
    import jax
    _d = setup_inputs()
    print(jax.jit(kernel)(*tuple(_d.values())))

</pallas_src>

<mosaic_0001>
#map = affine_map<(d0, d1) -> (0, 0)>
#map1 = affine_map<(d0, d1) -> (0, 0, 0)>
module attributes {stable_mosaic.version = 14 : i64} {
  func.func @k(%arg0: i32, %arg1: i32, %arg2: memref<1024x384xf32, #tpu.memory_space<hbm>>, %arg3: memref<32x25x128xi32, #tpu.memory_space<hbm>>, %arg4: memref<50x1024x768xf32, #tpu.memory_space<hbm>>, %arg5: memref<25x128xi32, #tpu.memory_space<vmem>>, %arg6: memref<2x128x384xf32, #tpu.memory_space<vmem>>, %arg7: memref<!tpu.dma_semaphore, #tpu.memory_space<semaphore_mem>>, %arg8: memref<!tpu.dma_semaphore, #tpu.memory_space<semaphore_mem>>, %arg9: memref<!tpu.dma_semaphore, #tpu.memory_space<semaphore_mem>>, %arg10: memref<!tpu.dma_semaphore, #tpu.memory_space<semaphore_mem>>) attributes {dimension_semantics = [#tpu.dimension_semantics<core_parallel>, #tpu.dimension_semantics<subcore_parallel>], iteration_bounds = array<i64: 2, 16>, scalar_prefetch = 0 : i64, scratch_operands = 6 : i64, tpu.core_type = #tpu.core_type<sc_vector_subcore>, window_params = [{transform_indices = #map}, {transform_indices = #map1}, {transform_indices = #map1}]} {
    %mul3A = arith.constant 16 : i32
    %mul3A_0 = arith.muli %arg0, %mul3A : i32
    %add3A = arith.addi %mul3A_0, %arg1 : i32
    %jit3A = arith.constant 16 : i32
    %div3A = arith.divsi %add3A, %jit3A : i32
    %sign3A = arith.constant 0 : i32
    %sign3A_1 = arith.cmpi sgt, %add3A, %sign3A : i32
    %sign3A_2 = arith.extui %sign3A_1 : i1 to i32
    %sign3A_3 = arith.constant 0 : i32
    %sign3A_4 = arith.cmpi slt, %add3A, %sign3A_3 : i32
    %sign3A_5 = arith.extui %sign3A_4 : i1 to i32
    %sign3A_6 = arith.subi %sign3A_2, %sign3A_5 : i32
    %sign3A_7 = arith.constant 0 : i32
    %sign3A_8 = arith.cmpi sgt, %jit3A, %sign3A_7 : i32
    %sign3A_9 = arith.extui %sign3A_8 : i1 to i32
    %sign3A_10 = arith.constant 0 : i32
    %sign3A_11 = arith.cmpi slt, %jit3A, %sign3A_10 : i32
    %sign3A_12 = arith.extui %sign3A_11 : i1 to i32
    %sign3A_13 = arith.subi %sign3A_9, %sign3A_12 : i32
    %ne3A = arith.cmpi ne, %sign3A_6, %sign3A_13 : i32
    %rem3A = arith.remsi %add3A, %jit3A : i32
    %ne3A_14 = arith.constant 0 : i32
    %ne3A_15 = arith.cmpi ne, %rem3A, %ne3A_14 : i32
    %and3A = arith.andi %ne3A, %ne3A_15 : i1
    %sub3A = arith.constant 1 : i32
    %sub3A_16 = arith.subi %div3A, %sub3A : i32
    %select_n3A = arith.select %and3A, %sub3A_16, %div3A : i32
    %mul3A_17 = arith.constant 25 : i32
    %mul3A_18 = arith.muli %add3A, %mul3A_17 : i32
    "tpu.region"() ({
      %run_scoped3A = tpu.sem_alloc : memref<!tpu.dma_semaphore, #tpu.memory_space<semaphore_mem>>
      %dma_start3A_307 = arith.constant 0 : i32
      %dma_start3A_308 = arith.constant 0 : i32
      %dma_start3A_309 = tpu.memref_slice %arg3[%add3A, %dma_start3A_307, %dma_start3A_308] : memref<32x25x128xi32, #tpu.memory_space<hbm>> -> memref<1x25x128xi32, #tpu.memory_space<hbm>>
      %dma_start3A_310 = tpu.memref_squeeze %dma_start3A_309 : memref<1x25x128xi32, #tpu.memory_space<hbm>> -> memref<25x128xi32, #tpu.memory_space<hbm>>
      %dma_start3A_311 = arith.constant 0 : i32
      %dma_start3A_312 = arith.constant 0 : i32
      %dma_start3A_313 = tpu.memref_slice %arg3[%add3A, %dma_start3A_311, %dma_start3A_312] : memref<32x25x128xi32, #tpu.memory_space<hbm>> -> memref<1x25x128xi32, #tpu.memory_space<hbm>>
      %dma_start3A_314 = tpu.memref_squeeze %dma_start3A_313 : memref<1x25x128xi32, #tpu.memory_space<hbm>> -> memref<25x128xi32, #tpu.memory_space<hbm>>
      tpu.enqueue_dma source(%dma_start3A_314 : memref<25x128xi32, #tpu.memory_space<hbm>>) target(%arg5 : memref<25x128xi32, #tpu.memory_space<vmem>>) target_semaphore(%run_scoped3A : memref<!tpu.dma_semaphore, #tpu.memory_space<semaphore_mem>>)
      %dma_wait3A_315 = arith.constant 0 : i32
      %dma_wait3A_316 = arith.constant 0 : i32
      %dma_wait3A_317 = tpu.memref_slice %arg3[%add3A, %dma_wait3A_315, %dma_wait3A_316] : memref<32x25x128xi32, #tpu.memory_space<hbm>> -> memref<1x25x128xi32, #tpu.memory_space<hbm>>
      %dma_wait3A_318 = tpu.memref_squeeze %dma_wait3A_317 : memref<1x25x128xi32, #tpu.memory_space<hbm>> -> memref<25x128xi32, #tpu.memory_space<hbm>>
      %dma_wait3A_319 = arith.constant 0 : i32
      %dma_wait3A_320 = arith.constant 0 : i32
      %dma_wait3A_321 = tpu.memref_slice %arg3[%add3A, %dma_wait3A_319, %dma_wait3A_320] : memref<32x25x128xi32, #tpu.memory_space<hbm>> -> memref<1x25x128xi32, #tpu.memory_space<hbm>>
      %dma_wait3A_322 = tpu.memref_squeeze %dma_wait3A_321 : memref<1x25x128xi32, #tpu.memory_space<hbm>> -> memref<25x128xi32, #tpu.memory_space<hbm>>
      tpu.wait_dma2 semaphore(%run_scoped3A : memref<!tpu.dma_semaphore, #tpu.memory_space<semaphore_mem>>) src(%dma_wait3A_322 : memref<25x128xi32, #tpu.memory_space<hbm>>) dst(%arg5 : memref<25x128xi32, #tpu.memory_space<vmem>>)
      tpu.yield
    }) : () -> ()
    %mul3A_19 = arith.constant 512 : i32
    %mul3A_20 = arith.muli %select_n3A, %mul3A_19 : i32
    %broadcast_in_dim3A = vector.broadcast %mul3A_20 : i32 to vector<16xi32>
    %scan3A = arith.constant 0 : i32
    %scan3A_21 = arith.constant 25 : i32
    %scan3A_22 = arith.addi %scan3A, %scan3A_21 : i32
    %scan3A_23 = arith.constant 1 : i32
    scf.for %scan3A_307 = %scan3A to %scan3A_22 step %scan3A_23  : i32 {
      %mul3A_308 = arith.constant 1 : i32
      %mul3A_309 = arith.muli %scan3A_307, %mul3A_308 : i32
      %add3A_310 = arith.constant 0 : i32
      %add3A_311 = arith.addi %add3A_310, %mul3A_309 : i32
      %get3A = arith.index_cast %add3A_311 : i32 to index
      %get3A_312 = arith.constant 0 : index
      %get3A_313 = tpu.vector_load %arg5[%get3A, %get3A_312] {strides = array<i32>} : memref<25x128xi32, #tpu.memory_space<vmem>>, vector<1x16xi32>,
      %get3A_314 = vector.shape_cast %get3A_313 : vector<1x16xi32> to vector<16xi32>
      %add3A_315 = arith.addi %get3A_314, %broadcast_in_dim3A : vector<16xi32>
      %swap3A = arith.index_cast %add3A_311 : i32 to index
      %swap3A_316 = arith.constant 0 : index
      %swap3A_317 = tpu.vector_load %arg5[%swap3A, %swap3A_316] {strides = array<i32>} : memref<25x128xi32, #tpu.memory_space<vmem>>, vector<1x16xi32>,
      %swap3A_318 = vector.shape_cast %swap3A_317 : vector<1x16xi32> to vector<16xi32>
      %swap3A_319 = vector.shape_cast %add3A_315 : vector<16xi32> to vector<1x16xi32>
      tpu.vector_store %arg5[%swap3A, %swap3A_316], %swap3A_319 {strides = array<i32>} : memref<25x128xi32, #tpu.memory_space<vmem>>, vector<1x16xi32>,
      %get3A_320 = arith.index_cast %add3A_311 : i32 to index
      %get3A_321 = arith.constant 16 : index
      %get3A_322 = tpu.vector_load %arg5[%get3A_320, %get3A_321] {strides = array<i32>} : memref<25x128xi32, #tpu.memory_space<vmem>>, vector<1x16xi32>,
      %get3A_323 = vector.shape_cast %get3A_322 : vector<1x16xi32> to vector<16xi32>
      %add3A_324 = arith.addi %get3A_323, %broadcast_in_dim3A : vector<16xi32>
      %swap3A_325 = arith.index_cast %add3A_311 : i32 to index
      %swap3A_326 = arith.constant 16 : index
      %swap3A_327 = tpu.vector_load %arg5[%swap3A_325, %swap3A_326] {strides = array<i32>} : memref<25x128xi32, #tpu.memory_space<vmem>>, vector<1x16xi32>,
      %swap3A_328 = vector.shape_cast %swap3A_327 : vector<1x16xi32> to vector<16xi32>
      %swap3A_329 = vector.shape_cast %add3A_324 : vector<16xi32> to vector<1x16xi32>
      tpu.vector_store %arg5[%swap3A_325, %swap3A_326], %swap3A_329 {strides = array<i32>} : memref<25x128xi32, #tpu.memory_space<vmem>>, vector<1x16xi32>,
      %get3A_330 = arith.index_cast %add3A_311 : i32 to index
      %get3A_331 = arith.constant 32 : index
      %get3A_332 = tpu.vector_load %arg5[%get3A_330, %get3A_331] {strides = array<i32>} : memref<25x128xi32, #tpu.memory_space<vmem>>, vector<1x16xi32>,
      %get3A_333 = vector.shape_cast %get3A_332 : vector<1x16xi32> to vector<16xi32>
      %add3A_334 = arith.addi %get3A_333, %broadcast_in_dim3A : vector<16xi32>
      %swap3A_335 = arith.index_cast %add3A_311 : i32 to index
      %swap3A_336 = arith.constant 32 : index
      %swap3A_337 = tpu.vector_load %arg5[%swap3A_335, %swap3A_336] {strides = array<i32>} : memref<25x128xi32, #tpu.memory_space<vmem>>, vector<1x16xi32>,
      %swap3A_338 = vector.shape_cast %swap3A_337 : vector<1x16xi32> to vector<16xi32>
      %swap3A_339 = vector.shape_cast %add3A_334 : vector<16xi32> to vector<1x16xi32>
      tpu.vector_store %arg5[%swap3A_335, %swap3A_336], %swap3A_339 {strides = array<i32>} : memref<25x128xi32, #tpu.memory_space<vmem>>, vector<1x16xi32>,
      %get3A_340 = arith.index_cast %add3A_311 : i32 to index
      %get3A_341 = arith.constant 48 : index
      %get3A_342 = tpu.vector_load %arg5[%get3A_340, %get3A_341] {strides = array<i32>} : memref<25x128xi32, #tpu.memory_space<vmem>>, vector<1x16xi32>,
      %get3A_343 = vector.shape_cast %get3A_342 : vector<1x16xi32> to vector<16xi32>
      %add3A_344 = arith.addi %get3A_343, %broadcast_in_dim3A : vector<16xi32>
      %swap3A_345 = arith.index_cast %add3A_311 : i32 to index
      %swap3A_346 = arith.constant 48 : index
      %swap3A_347 = tpu.vector_load %arg5[%swap3A_345, %swap3A_346] {strides = array<i32>} : memref<25x128xi32, #tpu.memory_space<vmem>>, vector<1x16xi32>,
      %swap3A_348 = vector.shape_cast %swap3A_347 : vector<1x16xi32> to vector<16xi32>
      %swap3A_349 = vector.shape_cast %add3A_344 : vector<16xi32> to vector<1x16xi32>
      tpu.vector_store %arg5[%swap3A_345, %swap3A_346], %swap3A_349 {strides = array<i32>} : memref<25x128xi32, #tpu.memory_space<vmem>>, vector<1x16xi32>,
      %get3A_350 = arith.index_cast %add3A_311 : i32 to index
      %get3A_351 = arith.constant 64 : index
      %get3A_352 = tpu.vector_load %arg5[%get3A_350, %get3A_351] {strides = array<i32>} : memref<25x128xi32, #tpu.memory_space<vmem>>, vector<1x16xi32>,
      %get3A_353 = vector.shape_cast %get3A_352 : vector<1x16xi32> to vector<16xi32>
      %add3A_354 = arith.addi %get3A_353, %broadcast_in_dim3A : vector<16xi32>
      %swap3A_355 = arith.index_cast %add3A_311 : i32 to index
      %swap3A_356 = arith.constant 64 : index
      %swap3A_357 = tpu.vector_load %arg5[%swap3A_355, %swap3A_356] {strides = array<i32>} : memref<25x128xi32, #tpu.memory_space<vmem>>, vector<1x16xi32>,
      %swap3A_358 = vector.shape_cast %swap3A_357 : vector<1x16xi32> to vector<16xi32>
      %swap3A_359 = vector.shape_cast %add3A_354 : vector<16xi32> to vector<1x16xi32>
      tpu.vector_store %arg5[%swap3A_355, %swap3A_356], %swap3A_359 {strides = array<i32>} : memref<25x128xi32, #tpu.memory_space<vmem>>, vector<1x16xi32>,
      %get3A_360 = arith.index_cast %add3A_311 : i32 to index
      %get3A_361 = arith.constant 80 : index
      %get3A_362 = tpu.vector_load %arg5[%get3A_360, %get3A_361] {strides = array<i32>} : memref<25x128xi32, #tpu.memory_space<vmem>>, vector<1x16xi32>,
      %get3A_363 = vector.shape_cast %get3A_362 : vector<1x16xi32> to vector<16xi32>
      %add3A_364 = arith.addi %get3A_363, %broadcast_in_dim3A : vector<16xi32>
      %swap3A_365 = arith.index_cast %add3A_311 : i32 to index
      %swap3A_366 = arith.constant 80 : index
      %swap3A_367 = tpu.vector_load %arg5[%swap3A_365, %swap3A_366] {strides = array<i32>} : memref<25x128xi32, #tpu.memory_space<vmem>>, vector<1x16xi32>,
      %swap3A_368 = vector.shape_cast %swap3A_367 : vector<1x16xi32> to vector<16xi32>
      %swap3A_369 = vector.shape_cast %add3A_364 : vector<16xi32> to vector<1x16xi32>
      tpu.vector_store %arg5[%swap3A_365, %swap3A_366], %swap3A_369 {strides = array<i32>} : memref<25x128xi32, #tpu.memory_space<vmem>>, vector<1x16xi32>,
      %get3A_370 = arith.index_cast %add3A_311 : i32 to index
      %get3A_371 = arith.constant 96 : index
      %get3A_372 = tpu.vector_load %arg5[%get3A_370, %get3A_371] {strides = array<i32>} : memref<25x128xi32, #tpu.memory_space<vmem>>, vector<1x16xi32>,
      %get3A_373 = vector.shape_cast %get3A_372 : vector<1x16xi32> to vector<16xi32>
      %add3A_374 = arith.addi %get3A_373, %broadcast_in_dim3A : vector<16xi32>
      %swap3A_375 = arith.index_cast %add3A_311 : i32 to index
      %swap3A_376 = arith.constant 96 : index
      %swap3A_377 = tpu.vector_load %arg5[%swap3A_375, %swap3A_376] {strides = array<i32>} : memref<25x128xi32, #tpu.memory_space<vmem>>, vector<1x16xi32>,
      %swap3A_378 = vector.shape_cast %swap3A_377 : vector<1x16xi32> to vector<16xi32>
      %swap3A_379 = vector.shape_cast %add3A_374 : vector<16xi32> to vector<1x16xi32>
      tpu.vector_store %arg5[%swap3A_375, %swap3A_376], %swap3A_379 {strides = array<i32>} : memref<25x128xi32, #tpu.memory_space<vmem>>, vector<1x16xi32>,
      %get3A_380 = arith.index_cast %add3A_311 : i32 to index
      %get3A_381 = arith.constant 112 : index
      %get3A_382 = tpu.vector_load %arg5[%get3A_380, %get3A_381] {strides = array<i32>} : memref<25x128xi32, #tpu.memory_space<vmem>>, vector<1x16xi32>,
      %get3A_383 = vector.shape_cast %get3A_382 : vector<1x16xi32> to vector<16xi32>
      %add3A_384 = arith.addi %get3A_383, %broadcast_in_dim3A : vector<16xi32>
      %swap3A_385 = arith.index_cast %add3A_311 : i32 to index
      %swap3A_386 = arith.constant 112 : index
      %swap3A_387 = tpu.vector_load %arg5[%swap3A_385, %swap3A_386] {strides = array<i32>} : memref<25x128xi32, #tpu.memory_space<vmem>>, vector<1x16xi32>,
      %swap3A_388 = vector.shape_cast %swap3A_387 : vector<1x16xi32> to vector<16xi32>
      %swap3A_389 = vector.shape_cast %add3A_384 : vector<16xi32> to vector<1x16xi32>
      tpu.vector_store %arg5[%swap3A_385, %swap3A_386], %swap3A_389 {strides = array<i32>} : memref<25x128xi32, #tpu.memory_space<vmem>>, vector<1x16xi32>,
    }
    %scan3A_24 = arith.constant 25 : i32
    %dma_start3A = arith.constant 0 : i32
    %dma_start3A_25 = arith.constant 0 : i32
    %dma_start3A_26 = arith.constant 0 : i32
    %dma_start3A_27 = arith.constant 0 : i32
    %dma_start3A_28 = tpu.memref_slice %arg6[%dma_start3A_25, %dma_start3A_26, %dma_start3A_27] : memref<2x128x384xf32, #tpu.memory_space<vmem>> -> memref<1x128x384xf32, #tpu.memory_space<vmem>>
    %dma_start3A_29 = tpu.memref_squeeze %dma_start3A_28 : memref<1x128x384xf32, #tpu.memory_space<vmem>> -> memref<128x384xf32, #tpu.memory_space<vmem>>
    %dma_start3A_30 = arith.constant 0 : i32
    %dma_start3A_31 = tpu.memref_slice %arg5[%dma_start3A, %dma_start3A_30] : memref<25x128xi32, #tpu.memory_space<vmem>> -> memref<1x128xi32, #tpu.memory_space<vmem>>
    %dma_start3A_32 = tpu.memref_squeeze %dma_start3A_31 : memref<1x128xi32, #tpu.memory_space<vmem>> -> memref<128xi32, #tpu.memory_space<vmem>>
    %dma_start3A_33 = arith.constant 0 : i32
    %dma_start3A_34 = arith.constant 0 : i32
    %dma_start3A_35 = tpu.memref_slice %arg2[%dma_start3A_33, %dma_start3A_34] : memref<1024x384xf32, #tpu.memory_space<hbm>> -> memref<1024x384xf32, #tpu.memory_space<hbm>>
    tpu.enqueue_indirect_dma source(%dma_start3A_35 : memref<1024x384xf32, #tpu.memory_space<hbm>>) target(%dma_start3A_29 : memref<128x384xf32, #tpu.memory_space<vmem>>) offsets(%dma_start3A_32 : memref<128xi32, #tpu.memory_space<vmem>>) semaphore(%arg7 : memref<!tpu.dma_semaphore, #tpu.memory_space<semaphore_mem>>)
    %dma_start3A_36 = arith.constant 1 : i32
    %dma_start3A_37 = arith.constant 1 : i32
    %dma_start3A_38 = arith.constant 0 : i32
    %dma_start3A_39 = arith.constant 0 : i32
    %dma_start3A_40 = tpu.memref_slice %arg6[%dma_start3A_37, %dma_start3A_38, %dma_start3A_39] : memref<2x128x384xf32, #tpu.memory_space<vmem>> -> memref<1x128x384xf32, #tpu.memory_space<vmem>>
    %dma_start3A_41 = tpu.memref_squeeze %dma_start3A_40 : memref<1x128x384xf32, #tpu.memory_space<vmem>> -> memref<128x384xf32, #tpu.memory_space<vmem>>
    %dma_start3A_42 = arith.constant 0 : i32
    %dma_start3A_43 = tpu.memref_slice %arg5[%dma_start3A_36, %dma_start3A_42] : memref<25x128xi32, #tpu.memory_space<vmem>> -> memref<1x128xi32, #tpu.memory_space<vmem>>
    %dma_start3A_44 = tpu.memref_squeeze %dma_start3A_43 : memref<1x128xi32, #tpu.memory_space<vmem>> -> memref<128xi32, #tpu.memory_space<vmem>>
    %dma_start3A_45 = arith.constant 0 : i32
    %dma_start3A_46 = arith.constant 0 : i32
    %dma_start3A_47 = tpu.memref_slice %arg2[%dma_start3A_45, %dma_start3A_46] : memref<1024x384xf32, #tpu.memory_space<hbm>> -> memref<1024x384xf32, #tpu.memory_space<hbm>>
    tpu.enqueue_indirect_dma source(%dma_start3A_47 : memref<1024x384xf32, #tpu.memory_space<hbm>>) target(%dma_start3A_41 : memref<128x384xf32, #tpu.memory_space<vmem>>) offsets(%dma_start3A_44 : memref<128xi32, #tpu.memory_space<vmem>>) semaphore(%arg8 : memref<!tpu.dma_semaphore, #tpu.memory_space<semaphore_mem>>)
    %dma_wait3A = arith.constant 0 : i32
    %dma_wait3A_48 = arith.constant 0 : i32
    %dma_wait3A_49 = arith.constant 0 : i32
    %dma_wait3A_50 = tpu.memref_slice %arg6[%dma_wait3A, %dma_wait3A_48, %dma_wait3A_49] : memref<2x128x384xf32, #tpu.memory_space<vmem>> -> memref<1x128x384xf32, #tpu.memory_space<vmem>>
    %dma_wait3A_51 = tpu.memref_squeeze %dma_wait3A_50 : memref<1x128x384xf32, #tpu.memory_space<vmem>> -> memref<128x384xf32, #tpu.memory_space<vmem>>
    %dma_wait3A_52 = arith.constant 0 : i32
    %dma_wait3A_53 = arith.constant 0 : i32
    %dma_wait3A_54 = tpu.memref_slice %arg2[%dma_wait3A_52, %dma_wait3A_53] : memref<1024x384xf32, #tpu.memory_space<hbm>> -> memref<128x384xf32, #tpu.memory_space<hbm>>
    %dma_wait3A_55 = arith.constant 0 : i32
    %dma_wait3A_56 = arith.constant 0 : i32
    %dma_wait3A_57 = tpu.memref_slice %arg6[%dma_wait3A, %dma_wait3A_55, %dma_wait3A_56] : memref<2x128x384xf32, #tpu.memory_space<vmem>> -> memref<1x128x384xf32, #tpu.memory_space<vmem>>
    %dma_wait3A_58 = tpu.memref_squeeze %dma_wait3A_57 : memref<1x128x384xf32, #tpu.memory_space<vmem>> -> memref<128x384xf32, #tpu.memory_space<vmem>>
    %dma_wait3A_59 = arith.constant 0 : i32
    %dma_wait3A_60 = arith.constant 0 : i32
    %dma_wait3A_61 = tpu.memref_slice %arg2[%dma_wait3A_59, %dma_wait3A_60] : memref<1024x384xf32, #tpu.memory_space<hbm>> -> memref<128x384xf32, #tpu.memory_space<hbm>>
    tpu.wait_dma2 semaphore(%arg7 : memref<!tpu.dma_semaphore, #tpu.memory_space<semaphore_mem>>) src(%dma_wait3A_61 : memref<128x384xf32, #tpu.memory_space<hbm>>) dst(%dma_wait3A_58 : memref<128x384xf32, #tpu.memory_space<vmem>>)
    %add3A_62 = arith.constant 0 : i32
    %add3A_63 = arith.addi %mul3A_18, %add3A_62 : i32
    %mul3A_64 = arith.constant 400 : i32
    %mul3A_65 = arith.muli %select_n3A, %mul3A_64 : i32
    %sub3A_66 = arith.subi %add3A_63, %mul3A_65 : i32
    %jit3A_67 = arith.constant 8 : i32
    %div3A_68 = arith.divsi %sub3A_66, %jit3A_67 : i32
    %sign3A_69 = arith.constant 0 : i32
    %sign3A_70 = arith.cmpi sgt, %sub3A_66, %sign3A_69 : i32
    %sign3A_71 = arith.extui %sign3A_70 : i1 to i32
    %sign3A_72 = arith.constant 0 : i32
    %sign3A_73 = arith.cmpi slt, %sub3A_66, %sign3A_72 : i32
    %sign3A_74 = arith.extui %sign3A_73 : i1 to i32
    %sign3A_75 = arith.subi %sign3A_71, %sign3A_74 : i32
    %sign3A_76 = arith.constant 0 : i32
    %sign3A_77 = arith.cmpi sgt, %jit3A_67, %sign3A_76 : i32
    %sign3A_78 = arith.extui %sign3A_77 : i1 to i32
    %sign3A_79 = arith.constant 0 : i32
    %sign3A_80 = arith.cmpi slt, %jit3A_67, %sign3A_79 : i32
    %sign3A_81 = arith.extui %sign3A_80 : i1 to i32
    %sign3A_82 = arith.subi %sign3A_78, %sign3A_81 : i32
    %ne3A_83 = arith.cmpi ne, %sign3A_75, %sign3A_82 : i32
    %rem3A_84 = arith.remsi %sub3A_66, %jit3A_67 : i32
    %ne3A_85 = arith.constant 0 : i32
    %ne3A_86 = arith.cmpi ne, %rem3A_84, %ne3A_85 : i32
    %and3A_87 = arith.andi %ne3A_83, %ne3A_86 : i1
    %sub3A_88 = arith.constant 1 : i32
    %sub3A_89 = arith.subi %div3A_68, %sub3A_88 : i32
    %select_n3A_90 = arith.select %and3A_87, %sub3A_89, %div3A_68 : i32
    %rem3A_91 = arith.constant 8 : i32
    %rem3A_92 = arith.remsi %sub3A_66, %rem3A_91 : i32
    %mul3A_93 = arith.constant 128 : i32
    %mul3A_94 = arith.muli %rem3A_92, %mul3A_93 : i32
    %mul3A_95 = arith.constant 384 : i32
    %mul3A_96 = arith.muli %select_n3A, %mul3A_95 : i32
    %dma_start3A_97 = arith.constant 0 : i32
    %dma_start3A_98 = arith.constant 0 : i32
    %dma_start3A_99 = arith.constant 0 : i32
    %dma_start3A_100 = tpu.memref_slice %arg6[%dma_start3A_97, %dma_start3A_98, %dma_start3A_99] : memref<2x128x384xf32, #tpu.memory_space<vmem>> -> memref<1x128x384xf32, #tpu.memory_space<vmem>>
    %dma_start3A_101 = tpu.memref_squeeze %dma_start3A_100 : memref<1x128x384xf32, #tpu.memory_space<vmem>> -> memref<128x384xf32, #tpu.memory_space<vmem>>
    %dma_start3A_102 = tpu.memref_slice %arg4[%select_n3A_90, %mul3A_94, %mul3A_96] : memref<50x1024x768xf32, #tpu.memory_space<hbm>> -> memref<1x128x384xf32, #tpu.memory_space<hbm>>
    %dma_start3A_103 = tpu.memref_squeeze %dma_start3A_102 : memref<1x128x384xf32, #tpu.memory_space<hbm>> -> memref<128x384xf32, #tpu.memory_space<hbm>>
    %dma_start3A_104 = tpu.memref_slice %arg4[%select_n3A_90, %mul3A_94, %mul3A_96] : memref<50x1024x768xf32, #tpu.memory_space<hbm>> -> memref<1x128x384xf32, #tpu.memory_space<hbm>>
    %dma_start3A_105 = tpu.memref_squeeze %dma_start3A_104 : memref<1x128x384xf32, #tpu.memory_space<hbm>> -> memref<128x384xf32, #tpu.memory_space<hbm>>
    %dma_start3A_106 = arith.constant 0 : i32
    %dma_start3A_107 = arith.constant 0 : i32
    %dma_start3A_108 = tpu.memref_slice %arg6[%dma_start3A_97, %dma_start3A_106, %dma_start3A_107] : memref<2x128x384xf32, #tpu.memory_space<vmem>> -> memref<1x128x384xf32, #tpu.memory_space<vmem>>
    %dma_start3A_109 = tpu.memref_squeeze %dma_start3A_108 : memref<1x128x384xf32, #tpu.memory_space<vmem>> -> memref<128x384xf32, #tpu.memory_space<vmem>>
    tpu.enqueue_dma source(%dma_start3A_109 : memref<128x384xf32, #tpu.memory_space<vmem>>) target(%dma_start3A_105 : memref<128x384xf32, #tpu.memory_space<hbm>>) target_semaphore(%arg9 : memref<!tpu.dma_semaphore, #tpu.memory_space<semaphore_mem>>)
    %dma_wait3A_110 = arith.constant 0 : i32
    %dma_wait3A_111 = arith.constant 0 : i32
    %dma_wait3A_112 = arith.constant 0 : i32
    %dma_wait3A_113 = arith.constant 0 : i32
    %dma_wait3A_114 = tpu.memref_slice %arg6[%dma_wait3A_110, %dma_wait3A_112, %dma_wait3A_113] : memref<2x128x384xf32, #tpu.memory_space<vmem>> -> memref<1x128x384xf32, #tpu.memory_space<vmem>>
    %dma_wait3A_115 = tpu.memref_squeeze %dma_wait3A_114 : memref<1x128x384xf32, #tpu.memory_space<vmem>> -> memref<128x384xf32, #tpu.memory_space<vmem>>
    %dma_wait3A_116 = arith.constant 0 : i32
    %dma_wait3A_117 = arith.constant 0 : i32
    %dma_wait3A_118 = tpu.memref_slice %arg4[%dma_wait3A_111, %dma_wait3A_116, %dma_wait3A_117] : memref<50x1024x768xf32, #tpu.memory_space<hbm>> -> memref<1x128x384xf32, #tpu.memory_space<hbm>>
    %dma_wait3A_119 = tpu.memref_squeeze %dma_wait3A_118 : memref<1x128x384xf32, #tpu.memory_space<hbm>> -> memref<128x384xf32, #tpu.memory_space<hbm>>
    %dma_wait3A_120 = arith.constant 0 : i32
    %dma_wait3A_121 = arith.constant 0 : i32
    %dma_wait3A_122 = tpu.memref_slice %arg4[%dma_wait3A_111, %dma_wait3A_120, %dma_wait3A_121] : memref<50x1024x768xf32, #tpu.memory_space<hbm>> -> memref<1x128x384xf32, #tpu.memory_space<hbm>>
    %dma_wait3A_123 = tpu.memref_squeeze %dma_wait3A_122 : memref<1x128x384xf32, #tpu.memory_space<hbm>> -> memref<128x384xf32, #tpu.memory_space<hbm>>
    %dma_wait3A_124 = arith.constant 0 : i32
    %dma_wait3A_125 = arith.constant 0 : i32
    %dma_wait3A_126 = tpu.memref_slice %arg6[%dma_wait3A_110, %dma_wait3A_124, %dma_wait3A_125] : memref<2x128x384xf32, #tpu.memory_space<vmem>> -> memref<1x128x384xf32, #tpu.memory_space<vmem>>
    %dma_wait3A_127 = tpu.memref_squeeze %dma_wait3A_126 : memref<1x128x384xf32, #tpu.memory_space<vmem>> -> memref<128x384xf32, #tpu.memory_space<vmem>>
    tpu.wait_dma2 semaphore(%arg9 : memref<!tpu.dma_semaphore, #tpu.memory_space<semaphore_mem>>) src(%dma_wait3A_127 : memref<128x384xf32, #tpu.memory_space<vmem>>) dst(%dma_wait3A_123 : memref<128x384xf32, #tpu.memory_space<hbm>>)
    %dma_start3A_128 = arith.constant 2 : i32
    %dma_start3A_129 = arith.constant 0 : i32
    %dma_start3A_130 = arith.constant 0 : i32
    %dma_start3A_131 = arith.constant 0 : i32
    %dma_start3A_132 = tpu.memref_slice %arg6[%dma_start3A_129, %dma_start3A_130, %dma_start3A_131] : memref<2x128x384xf32, #tpu.memory_space<vmem>> -> memref<1x128x384xf32, #tpu.memory_space<vmem>>
    %dma_start3A_133 = tpu.memref_squeeze %dma_start3A_132 : memref<1x128x384xf32, #tpu.memory_space<vmem>> -> memref<128x384xf32, #tpu.memory_space<vmem>>
    %dma_start3A_134 = arith.constant 0 : i32
    %dma_start3A_135 = tpu.memref_slice %arg5[%dma_start3A_128, %dma_start3A_134] : memref<25x128xi32, #tpu.memory_space<vmem>> -> memref<1x128xi32, #tpu.memory_space<vmem>>
    %dma_start3A_136 = tpu.memref_squeeze %dma_start3A_135 : memref<1x128xi32, #tpu.memory_space<vmem>> -> memref<128xi32, #tpu.memory_space<vmem>>
    %dma_start3A_137 = arith.constant 0 : i32
    %dma_start3A_138 = arith.constant 0 : i32
    %dma_start3A_139 = tpu.memref_slice %arg2[%dma_start3A_137, %dma_start3A_138] : memref<1024x384xf32, #tpu.memory_space<hbm>> -> memref<1024x384xf32, #tpu.memory_space<hbm>>
    tpu.enqueue_indirect_dma source(%dma_start3A_139 : memref<1024x384xf32, #tpu.memory_space<hbm>>) target(%dma_start3A_133 : memref<128x384xf32, #tpu.memory_space<vmem>>) offsets(%dma_start3A_136 : memref<128xi32, #tpu.memory_space<vmem>>) semaphore(%arg7 : memref<!tpu.dma_semaphore, #tpu.memory_space<semaphore_mem>>)
    %dma_wait3A_140 = arith.constant 1 : i32
    %dma_wait3A_141 = arith.constant 0 : i32
    %dma_wait3A_142 = arith.constant 0 : i32
    %dma_wait3A_143 = tpu.memref_slice %arg6[%dma_wait3A_140, %dma_wait3A_141, %dma_wait3A_142] : memref<2x128x384xf32, #tpu.memory_space<vmem>> -> memref<1x128x384xf32, #tpu.memory_space<vmem>>
    %dma_wait3A_144 = tpu.memref_squeeze %dma_wait3A_143 : memref<1x128x384xf32, #tpu.memory_space<vmem>> -> memref<128x384xf32, #tpu.memory_space<vmem>>
    %dma_wait3A_145 = arith.constant 0 : i32
    %dma_wait3A_146 = arith.constant 0 : i32
    %dma_wait3A_147 = tpu.memref_slice %arg2[%dma_wait3A_145, %dma_wait3A_146] : memref<1024x384xf32, #tpu.memory_space<hbm>> -> memref<128x384xf32, #tpu.memory_space<hbm>>
    %dma_wait3A_148 = arith.constant 0 : i32
    %dma_wait3A_149 = arith.constant 0 : i32
    %dma_wait3A_150 = tpu.memref_slice %arg6[%dma_wait3A_140, %dma_wait3A_148, %dma_wait3A_149] : memref<2x128x384xf32, #tpu.memory_space<vmem>> -> memref<1x128x384xf32, #tpu.memory_space<vmem>>
    %dma_wait3A_151 = tpu.memref_squeeze %dma_wait3A_150 : memref<1x128x384xf32, #tpu.memory_space<vmem>> -> memref<128x384xf32, #tpu.memory_space<vmem>>
    %dma_wait3A_152 = arith.constant 0 : i32
    %dma_wait3A_153 = arith.constant 0 : i32
    %dma_wait3A_154 = tpu.memref_slice %arg2[%dma_wait3A_152, %dma_wait3A_153] : memref<1024x384xf32, #tpu.memory_space<hbm>> -> memref<128x384xf32, #tpu.memory_space<hbm>>
    tpu.wait_dma2 semaphore(%arg8 : memref<!tpu.dma_semaphore, #tpu.memory_space<semaphore_mem>>) src(%dma_wait3A_154 : memref<128x384xf32, #tpu.memory_space<hbm>>) dst(%dma_wait3A_151 : memref<128x384xf32, #tpu.memory_space<vmem>>)
    %add3A_155 = arith.constant 1 : i32
    %add3A_156 = arith.addi %mul3A_18, %add3A_155 : i32
    %mul3A_157 = arith.constant 400 : i32
    %mul3A_158 = arith.muli %select_n3A, %mul3A_157 : i32
    %sub3A_159 = arith.subi %add3A_156, %mul3A_158 : i32
    %jit3A_160 = arith.constant 8 : i32
    %div3A_161 = arith.divsi %sub3A_159, %jit3A_160 : i32
    %sign3A_162 = arith.constant 0 : i32
    %sign3A_163 = arith.cmpi sgt, %sub3A_159, %sign3A_162 : i32
    %sign3A_164 = arith.extui %sign3A_163 : i1 to i32
    %sign3A_165 = arith.constant 0 : i32
    %sign3A_166 = arith.cmpi slt, %sub3A_159, %sign3A_165 : i32
    %sign3A_167 = arith.extui %sign3A_166 : i1 to i32
    %sign3A_168 = arith.subi %sign3A_164, %sign3A_167 : i32
    %sign3A_169 = arith.constant 0 : i32
    %sign3A_170 = arith.cmpi sgt, %jit3A_160, %sign3A_169 : i32
    %sign3A_171 = arith.extui %sign3A_170 : i1 to i32
    %sign3A_172 = arith.constant 0 : i32
    %sign3A_173 = arith.cmpi slt, %jit3A_160, %sign3A_172 : i32
    %sign3A_174 = arith.extui %sign3A_173 : i1 to i32
    %sign3A_175 = arith.subi %sign3A_171, %sign3A_174 : i32
    %ne3A_176 = arith.cmpi ne, %sign3A_168, %sign3A_175 : i32
    %rem3A_177 = arith.remsi %sub3A_159, %jit3A_160 : i32
    %ne3A_178 = arith.constant 0 : i32
    %ne3A_179 = arith.cmpi ne, %rem3A_177, %ne3A_178 : i32
    %and3A_180 = arith.andi %ne3A_176, %ne3A_179 : i1
    %sub3A_181 = arith.constant 1 : i32
    %sub3A_182 = arith.subi %div3A_161, %sub3A_181 : i32
    %select_n3A_183 = arith.select %and3A_180, %sub3A_182, %div3A_161 : i32
    %rem3A_184 = arith.constant 8 : i32
    %rem3A_185 = arith.remsi %sub3A_159, %rem3A_184 : i32
    %mul3A_186 = arith.constant 128 : i32
    %mul3A_187 = arith.muli %rem3A_185, %mul3A_186 : i32
    %mul3A_188 = arith.constant 384 : i32
    %mul3A_189 = arith.muli %select_n3A, %mul3A_188 : i32
    %dma_start3A_190 = arith.constant 1 : i32
    %dma_start3A_191 = arith.constant 0 : i32
    %dma_start3A_192 = arith.constant 0 : i32
    %dma_start3A_193 = tpu.memref_slice %arg6[%dma_start3A_190, %dma_start3A_191, %dma_start3A_192] : memref<2x128x384xf32, #tpu.memory_space<vmem>> -> memref<1x128x384xf32, #tpu.memory_space<vmem>>
    %dma_start3A_194 = tpu.memref_squeeze %dma_start3A_193 : memref<1x128x384xf32, #tpu.memory_space<vmem>> -> memref<128x384xf32, #tpu.memory_space<vmem>>
    %dma_start3A_195 = tpu.memref_slice %arg4[%select_n3A_183, %mul3A_187, %mul3A_189] : memref<50x1024x768xf32, #tpu.memory_space<hbm>> -> memref<1x128x384xf32, #tpu.memory_space<hbm>>
    %dma_start3A_196 = tpu.memref_squeeze %dma_start3A_195 : memref<1x128x384xf32, #tpu.memory_space<hbm>> -> memref<128x384xf32, #tpu.memory_space<hbm>>
    %dma_start3A_197 = tpu.memref_slice %arg4[%select_n3A_183, %mul3A_187, %mul3A_189] : memref<50x1024x768xf32, #tpu.memory_space<hbm>> -> memref<1x128x384xf32, #tpu.memory_space<hbm>>
    %dma_start3A_198 = tpu.memref_squeeze %dma_start3A_197 : memref<1x128x384xf32, #tpu.memory_space<hbm>> -> memref<128x384xf32, #tpu.memory_space<hbm>>
    %dma_start3A_199 = arith.constant 0 : i32
    %dma_start3A_200 = arith.constant 0 : i32
    %dma_start3A_201 = tpu.memref_slice %arg6[%dma_start3A_190, %dma_start3A_199, %dma_start3A_200] : memref<2x128x384xf32, #tpu.memory_space<vmem>> -> memref<1x128x384xf32, #tpu.memory_space<vmem>>
    %dma_start3A_202 = tpu.memref_squeeze %dma_start3A_201 : memref<1x128x384xf32, #tpu.memory_space<vmem>> -> memref<128x384xf32, #tpu.memory_space<vmem>>
    tpu.enqueue_dma source(%dma_start3A_202 : memref<128x384xf32, #tpu.memory_space<vmem>>) target(%dma_start3A_198 : memref<128x384xf32, #tpu.memory_space<hbm>>) target_semaphore(%arg10 : memref<!tpu.dma_semaphore, #tpu.memory_space<semaphore_mem>>)
    %scan3A_203 = arith.constant 0 : i32
    %scan3A_204 = arith.constant 11 : i32
    %scan3A_205 = arith.addi %scan3A_203, %scan3A_204 : i32
    %scan3A_206 = arith.constant 1 : i32
    scf.for %scan3A_307 = %scan3A_203 to %scan3A_205 step %scan3A_206  : i32 {
      %mul3A_308 = arith.constant 2 : i32
      %mul3A_309 = arith.muli %scan3A_307, %mul3A_308 : i32
      %add3A_310 = arith.constant 2 : i32
      %add3A_311 = arith.addi %add3A_310, %mul3A_309 : i32
      %add3A_312 = arith.constant 0 : i32
      %add3A_313 = arith.addi %add3A_311, %add3A_312 : i32
      %dma_wait3A_314 = arith.constant 1 : i32
      %dma_wait3A_315 = arith.constant 0 : i32
      %dma_wait3A_316 = arith.constant 0 : i32
      %dma_wait3A_317 = arith.constant 0 : i32
      %dma_wait3A_318 = tpu.memref_slice %arg6[%dma_wait3A_314, %dma_wait3A_316, %dma_wait3A_317] : memref<2x128x384xf32, #tpu.memory_space<vmem>> -> memref<1x128x384xf32, #tpu.memory_space<vmem>>
      %dma_wait3A_319 = tpu.memref_squeeze %dma_wait3A_318 : memref<1x128x384xf32, #tpu.memory_space<vmem>> -> memref<128x384xf32, #tpu.memory_space<vmem>>
      %dma_wait3A_320 = arith.constant 0 : i32
      %dma_wait3A_321 = arith.constant 0 : i32
      %dma_wait3A_322 = tpu.memref_slice %arg4[%dma_wait3A_315, %dma_wait3A_320, %dma_wait3A_321] : memref<50x1024x768xf32, #tpu.memory_space<hbm>> -> memref<1x128x384xf32, #tpu.memory_space<hbm>>
      %dma_wait3A_323 = tpu.memref_squeeze %dma_wait3A_322 : memref<1x128x384xf32, #tpu.memory_space<hbm>> -> memref<128x384xf32, #tpu.memory_space<hbm>>
      %dma_wait3A_324 = arith.constant 0 : i32
      %dma_wait3A_325 = arith.constant 0 : i32
      %dma_wait3A_326 = tpu.memref_slice %arg4[%dma_wait3A_315, %dma_wait3A_324, %dma_wait3A_325] : memref<50x1024x768xf32, #tpu.memory_space<hbm>> -> memref<1x128x384xf32, #tpu.memory_space<hbm>>
      %dma_wait3A_327 = tpu.memref_squeeze %dma_wait3A_326 : memref<1x128x384xf32, #tpu.memory_space<hbm>> -> memref<128x384xf32, #tpu.memory_space<hbm>>
      %dma_wait3A_328 = arith.constant 0 : i32
      %dma_wait3A_329 = arith.constant 0 : i32
      %dma_wait3A_330 = tpu.memref_slice %arg6[%dma_wait3A_314, %dma_wait3A_328, %dma_wait3A_329] : memref<2x128x384xf32, #tpu.memory_space<vmem>> -> memref<1x128x384xf32, #tpu.memory_space<vmem>>
      %dma_wait3A_331 = tpu.memref_squeeze %dma_wait3A_330 : memref<1x128x384xf32, #tpu.memory_space<vmem>> -> memref<128x384xf32, #tpu.memory_space<vmem>>
      tpu.wait_dma2 semaphore(%arg10 : memref<!tpu.dma_semaphore, #tpu.memory_space<semaphore_mem>>) src(%dma_wait3A_331 : memref<128x384xf32, #tpu.memory_space<vmem>>) dst(%dma_wait3A_327 : memref<128x384xf32, #tpu.memory_space<hbm>>)
      %add3A_332 = arith.constant 1 : i32
      %add3A_333 = arith.addi %add3A_313, %add3A_332 : i32
      %dma_start3A_334 = arith.constant 1 : i32
      %dma_start3A_335 = arith.constant 0 : i32
      %dma_start3A_336 = arith.constant 0 : i32
      %dma_start3A_337 = tpu.memref_slice %arg6[%dma_start3A_334, %dma_start3A_335, %dma_start3A_336] : memref<2x128x384xf32, #tpu.memory_space<vmem>> -> memref<1x128x384xf32, #tpu.memory_space<vmem>>
      %dma_start3A_338 = tpu.memref_squeeze %dma_start3A_337 : memref<1x128x384xf32, #tpu.memory_space<vmem>> -> memref<128x384xf32, #tpu.memory_space<vmem>>
      %dma_start3A_339 = arith.constant 0 : i32
      %dma_start3A_340 = tpu.memref_slice %arg5[%add3A_333, %dma_start3A_339] : memref<25x128xi32, #tpu.memory_space<vmem>> -> memref<1x128xi32, #tpu.memory_space<vmem>>
      %dma_start3A_341 = tpu.memref_squeeze %dma_start3A_340 : memref<1x128xi32, #tpu.memory_space<vmem>> -> memref<128xi32, #tpu.memory_space<vmem>>
      %dma_start3A_342 = arith.constant 0 : i32
      %dma_start3A_343 = arith.constant 0 : i32
      %dma_start3A_344 = tpu.memref_slice %arg2[%dma_start3A_342, %dma_start3A_343] : memref<1024x384xf32, #tpu.memory_space<hbm>> -> memref<1024x384xf32, #tpu.memory_space<hbm>>
      tpu.enqueue_indirect_dma source(%dma_start3A_344 : memref<1024x384xf32, #tpu.memory_space<hbm>>) target(%dma_start3A_338 : memref<128x384xf32, #tpu.memory_space<vmem>>) offsets(%dma_start3A_341 : memref<128xi32, #tpu.memory_space<vmem>>) semaphore(%arg8 : memref<!tpu.dma_semaphore, #tpu.memory_space<semaphore_mem>>)
      %dma_wait3A_345 = arith.constant 0 : i32
      %dma_wait3A_346 = arith.constant 0 : i32
      %dma_wait3A_347 = arith.constant 0 : i32
      %dma_wait3A_348 = tpu.memref_slice %arg6[%dma_wait3A_345, %dma_wait3A_346, %dma_wait3A_347] : memref<2x128x384xf32, #tpu.memory_space<vmem>> -> memref<1x128x384xf32, #tpu.memory_space<vmem>>
      %dma_wait3A_349 = tpu.memref_squeeze %dma_wait3A_348 : memref<1x128x384xf32, #tpu.memory_space<vmem>> -> memref<128x384xf32, #tpu.memory_space<vmem>>
      %dma_wait3A_350 = arith.constant 0 : i32
      %dma_wait3A_351 = arith.constant 0 : i32
      %dma_wait3A_352 = tpu.memref_slice %arg2[%dma_wait3A_350, %dma_wait3A_351] : memref<1024x384xf32, #tpu.memory_space<hbm>> -> memref<128x384xf32, #tpu.memory_space<hbm>>
      %dma_wait3A_353 = arith.constant 0 : i32
      %dma_wait3A_354 = arith.constant 0 : i32
      %dma_wait3A_355 = tpu.memref_slice %arg6[%dma_wait3A_345, %dma_wait3A_353, %dma_wait3A_354] : memref<2x128x384xf32, #tpu.memory_space<vmem>> -> memref<1x128x384xf32, #tpu.memory_space<vmem>>
      %dma_wait3A_356 = tpu.memref_squeeze %dma_wait3A_355 : memref<1x128x384xf32, #tpu.memory_space<vmem>> -> memref<128x384xf32, #tpu.memory_space<vmem>>
      %dma_wait3A_357 = arith.constant 0 : i32
      %dma_wait3A_358 = arith.constant 0 : i32
      %dma_wait3A_359 = tpu.memref_slice %arg2[%dma_wait3A_357, %dma_wait3A_358] : memref<1024x384xf32, #tpu.memory_space<hbm>> -> memref<128x384xf32, #tpu.memory_space<hbm>>
      tpu.wait_dma2 semaphore(%arg7 : memref<!tpu.dma_semaphore, #tpu.memory_space<semaphore_mem>>) src(%dma_wait3A_359 : memref<128x384xf32, #tpu.memory_space<hbm>>) dst(%dma_wait3A_356 : memref<128x384xf32, #tpu.memory_space<vmem>>)
      %add3A_360 = arith.addi %mul3A_18, %add3A_313 : i32
      %mul3A_361 = arith.constant 400 : i32
      %mul3A_362 = arith.muli %select_n3A, %mul3A_361 : i32
      %sub3A_363 = arith.subi %add3A_360, %mul3A_362 : i32
      %jit3A_364 = arith.constant 8 : i32
      %div3A_365 = arith.divsi %sub3A_363, %jit3A_364 : i32
      %sign3A_366 = arith.constant 0 : i32
      %sign3A_367 = arith.cmpi sgt, %sub3A_363, %sign3A_366 : i32
      %sign3A_368 = arith.extui %sign3A_367 : i1 to i32
      %sign3A_369 = arith.constant 0 : i32
      %sign3A_370 = arith.cmpi slt, %sub3A_363, %sign3A_369 : i32
      %sign3A_371 = arith.extui %sign3A_370 : i1 to i32
      %sign3A_372 = arith.subi %sign3A_368, %sign3A_371 : i32
      %sign3A_373 = arith.constant 0 : i32
      %sign3A_374 = arith.cmpi sgt, %jit3A_364, %sign3A_373 : i32
      %sign3A_375 = arith.extui %sign3A_374 : i1 to i32
      %sign3A_376 = arith.constant 0 : i32
      %sign3A_377 = arith.cmpi slt, %jit3A_364, %sign3A_376 : i32
      %sign3A_378 = arith.extui %sign3A_377 : i1 to i32
      %sign3A_379 = arith.subi %sign3A_375, %sign3A_378 : i32
      %ne3A_380 = arith.cmpi ne, %sign3A_372, %sign3A_379 : i32
      %rem3A_381 = arith.remsi %sub3A_363, %jit3A_364 : i32
      %ne3A_382 = arith.constant 0 : i32
      %ne3A_383 = arith.cmpi ne, %rem3A_381, %ne3A_382 : i32
      %and3A_384 = arith.andi %ne3A_380, %ne3A_383 : i1
      %sub3A_385 = arith.constant 1 : i32
      %sub3A_386 = arith.subi %div3A_365, %sub3A_385 : i32
      %select_n3A_387 = arith.select %and3A_384, %sub3A_386, %div3A_365 : i32
      %rem3A_388 = arith.constant 8 : i32
      %rem3A_389 = arith.remsi %sub3A_363, %rem3A_388 : i32
      %mul3A_390 = arith.constant 128 : i32
      %mul3A_391 = arith.muli %rem3A_389, %mul3A_390 : i32
      %mul3A_392 = arith.constant 384 : i32
      %mul3A_393 = arith.muli %select_n3A, %mul3A_392 : i32
      %dma_start3A_394 = arith.constant 0 : i32
      %dma_start3A_395 = arith.constant 0 : i32
      %dma_start3A_396 = arith.constant 0 : i32
      %dma_start3A_397 = tpu.memref_slice %arg6[%dma_start3A_394, %dma_start3A_395, %dma_start3A_396] : memref<2x128x384xf32, #tpu.memory_space<vmem>> -> memref<1x128x384xf32, #tpu.memory_space<vmem>>
      %dma_start3A_398 = tpu.memref_squeeze %dma_start3A_397 : memref<1x128x384xf32, #tpu.memory_space<vmem>> -> memref<128x384xf32, #tpu.memory_space<vmem>>
      %dma_start3A_399 = tpu.memref_slice %arg4[%select_n3A_387, %mul3A_391, %mul3A_393] : memref<50x1024x768xf32, #tpu.memory_space<hbm>> -> memref<1x128x384xf32, #tpu.memory_space<hbm>>
      %dma_start3A_400 = tpu.memref_squeeze %dma_start3A_399 : memref<1x128x384xf32, #tpu.memory_space<hbm>> -> memref<128x384xf32, #tpu.memory_space<hbm>>
      %dma_start3A_401 = tpu.memref_slice %arg4[%select_n3A_387, %mul3A_391, %mul3A_393] : memref<50x1024x768xf32, #tpu.memory_space<hbm>> -> memref<1x128x384xf32, #tpu.memory_space<hbm>>
      %dma_start3A_402 = tpu.memref_squeeze %dma_start3A_401 : memref<1x128x384xf32, #tpu.memory_space<hbm>> -> memref<128x384xf32, #tpu.memory_space<hbm>>
      %dma_start3A_403 = arith.constant 0 : i32
      %dma_start3A_404 = arith.constant 0 : i32
      %dma_start3A_405 = tpu.memref_slice %arg6[%dma_start3A_394, %dma_start3A_403, %dma_start3A_404] : memref<2x128x384xf32, #tpu.memory_space<vmem>> -> memref<1x128x384xf32, #tpu.memory_space<vmem>>
      %dma_start3A_406 = tpu.memref_squeeze %dma_start3A_405 : memref<1x128x384xf32, #tpu.memory_space<vmem>> -> memref<128x384xf32, #tpu.memory_space<vmem>>
      tpu.enqueue_dma source(%dma_start3A_406 : memref<128x384xf32, #tpu.memory_space<vmem>>) target(%dma_start3A_402 : memref<128x384xf32, #tpu.memory_space<hbm>>) target_semaphore(%arg9 : memref<!tpu.dma_semaphore, #tpu.memory_space<semaphore_mem>>)
      %add3A_407 = arith.constant 1 : i32
      %add3A_408 = arith.addi %add3A_311, %add3A_407 : i32
      %dma_wait3A_409 = arith.constant 0 : i32
      %dma_wait3A_410 = arith.constant 0 : i32
      %dma_wait3A_411 = arith.constant 0 : i32
      %dma_wait3A_412 = arith.constant 0 : i32
      %dma_wait3A_413 = tpu.memref_slice %arg6[%dma_wait3A_409, %dma_wait3A_411, %dma_wait3A_412] : memref<2x128x384xf32, #tpu.memory_space<vmem>> -> memref<1x128x384xf32, #tpu.memory_space<vmem>>
      %dma_wait3A_414 = tpu.memref_squeeze %dma_wait3A_413 : memref<1x128x384xf32, #tpu.memory_space<vmem>> -> memref<128x384xf32, #tpu.memory_space<vmem>>
      %dma_wait3A_415 = arith.constant 0 : i32
      %dma_wait3A_416 = arith.constant 0 : i32
      %dma_wait3A_417 = tpu.memref_slice %arg4[%dma_wait3A_410, %dma_wait3A_415, %dma_wait3A_416] : memref<50x1024x768xf32, #tpu.memory_space<hbm>> -> memref<1x128x384xf32, #tpu.memory_space<hbm>>
      %dma_wait3A_418 = tpu.memref_squeeze %dma_wait3A_417 : memref<1x128x384xf32, #tpu.memory_space<hbm>> -> memref<128x384xf32, #tpu.memory_space<hbm>>
      %dma_wait3A_419 = arith.constant 0 : i32
      %dma_wait3A_420 = arith.constant 0 : i32
      %dma_wait3A_421 = tpu.memref_slice %arg4[%dma_wait3A_410, %dma_wait3A_419, %dma_wait3A_420] : memref<50x1024x768xf32, #tpu.memory_space<hbm>> -> memref<1x128x384xf32, #tpu.memory_space<hbm>>
      %dma_wait3A_422 = tpu.memref_squeeze %dma_wait3A_421 : memref<1x128x384xf32, #tpu.memory_space<hbm>> -> memref<128x384xf32, #tpu.memory_space<hbm>>
      %dma_wait3A_423 = arith.constant 0 : i32
      %dma_wait3A_424 = arith.constant 0 : i32
      %dma_wait3A_425 = tpu.memref_slice %arg6[%dma_wait3A_409, %dma_wait3A_423, %dma_wait3A_424] : memref<2x128x384xf32, #tpu.memory_space<vmem>> -> memref<1x128x384xf32, #tpu.memory_space<vmem>>
      %dma_wait3A_426 = tpu.memref_squeeze %dma_wait3A_425 : memref<1x128x384xf32, #tpu.memory_space<vmem>> -> memref<128x384xf32, #tpu.memory_space<vmem>>
      tpu.wait_dma2 semaphore(%arg9 : memref<!tpu.dma_semaphore, #tpu.memory_space<semaphore_mem>>) src(%dma_wait3A_426 : memref<128x384xf32, #tpu.memory_space<vmem>>) dst(%dma_wait3A_422 : memref<128x384xf32, #tpu.memory_space<hbm>>)
      %add3A_427 = arith.constant 1 : i32
      %add3A_428 = arith.addi %add3A_408, %add3A_427 : i32
      %dma_start3A_429 = arith.constant 0 : i32
      %dma_start3A_430 = arith.constant 0 : i32
      %dma_start3A_431 = arith.constant 0 : i32
      %dma_start3A_432 = tpu.memref_slice %arg6[%dma_start3A_429, %dma_start3A_430, %dma_start3A_431] : memref<2x128x384xf32, #tpu.memory_space<vmem>> -> memref<1x128x384xf32, #tpu.memory_space<vmem>>
      %dma_start3A_433 = tpu.memref_squeeze %dma_start3A_432 : memref<1x128x384xf32, #tpu.memory_space<vmem>> -> memref<128x384xf32, #tpu.memory_space<vmem>>
      %dma_start3A_434 = arith.constant 0 : i32
      %dma_start3A_435 = tpu.memref_slice %arg5[%add3A_428, %dma_start3A_434] : memref<25x128xi32, #tpu.memory_space<vmem>> -> memref<1x128xi32, #tpu.memory_space<vmem>>
      %dma_start3A_436 = tpu.memref_squeeze %dma_start3A_435 : memref<1x128xi32, #tpu.memory_space<vmem>> -> memref<128xi32, #tpu.memory_space<vmem>>
      %dma_start3A_437 = arith.constant 0 : i32
      %dma_start3A_438 = arith.constant 0 : i32
      %dma_start3A_439 = tpu.memref_slice %arg2[%dma_start3A_437, %dma_start3A_438] : memref<1024x384xf32, #tpu.memory_space<hbm>> -> memref<1024x384xf32, #tpu.memory_space<hbm>>
      tpu.enqueue_indirect_dma source(%dma_start3A_439 : memref<1024x384xf32, #tpu.memory_space<hbm>>) target(%dma_start3A_433 : memref<128x384xf32, #tpu.memory_space<vmem>>) offsets(%dma_start3A_436 : memref<128xi32, #tpu.memory_space<vmem>>) semaphore(%arg7 : memref<!tpu.dma_semaphore, #tpu.memory_space<semaphore_mem>>)
      %dma_wait3A_440 = arith.constant 1 : i32
      %dma_wait3A_441 = arith.constant 0 : i32
      %dma_wait3A_442 = arith.constant 0 : i32
      %dma_wait3A_443 = tpu.memref_slice %arg6[%dma_wait3A_440, %dma_wait3A_441, %dma_wait3A_442] : memref<2x128x384xf32, #tpu.memory_space<vmem>> -> memref<1x128x384xf32, #tpu.memory_space<vmem>>
      %dma_wait3A_444 = tpu.memref_squeeze %dma_wait3A_443 : memref<1x128x384xf32, #tpu.memory_space<vmem>> -> memref<128x384xf32, #tpu.memory_space<vmem>>
      %dma_wait3A_445 = arith.constant 0 : i32
      %dma_wait3A_446 = arith.constant 0 : i32
      %dma_wait3A_447 = tpu.memref_slice %arg2[%dma_wait3A_445, %dma_wait3A_446] : memref<1024x384xf32, #tpu.memory_space<hbm>> -> memref<128x384xf32, #tpu.memory_space<hbm>>
      %dma_wait3A_448 = arith.constant 0 : i32
      %dma_wait3A_449 = arith.constant 0 : i32
      %dma_wait3A_450 = tpu.memref_slice %arg6[%dma_wait3A_440, %dma_wait3A_448, %dma_wait3A_449] : memref<2x128x384xf32, #tpu.memory_space<vmem>> -> memref<1x128x384xf32, #tpu.memory_space<vmem>>
      %dma_wait3A_451 = tpu.memref_squeeze %dma_wait3A_450 : memref<1x128x384xf32, #tpu.memory_space<vmem>> -> memref<128x384xf32, #tpu.memory_space<vmem>>
      %dma_wait3A_452 = arith.constant 0 : i32
      %dma_wait3A_453 = arith.constant 0 : i32
      %dma_wait3A_454 = tpu.memref_slice %arg2[%dma_wait3A_452, %dma_wait3A_453] : memref<1024x384xf32, #tpu.memory_space<hbm>> -> memref<128x384xf32, #tpu.memory_space<hbm>>
      tpu.wait_dma2 semaphore(%arg8 : memref<!tpu.dma_semaphore, #tpu.memory_space<semaphore_mem>>) src(%dma_wait3A_454 : memref<128x384xf32, #tpu.memory_space<hbm>>) dst(%dma_wait3A_451 : memref<128x384xf32, #tpu.memory_space<vmem>>)
      %add3A_455 = arith.addi %mul3A_18, %add3A_408 : i32
      %mul3A_456 = arith.constant 400 : i32
      %mul3A_457 = arith.muli %select_n3A, %mul3A_456 : i32
      %sub3A_458 = arith.subi %add3A_455, %mul3A_457 : i32
      %jit3A_459 = arith.constant 8 : i32
      %div3A_460 = arith.divsi %sub3A_458, %jit3A_459 : i32
      %sign3A_461 = arith.constant 0 : i32
      %sign3A_462 = arith.cmpi sgt, %sub3A_458, %sign3A_461 : i32
      %sign3A_463 = arith.extui %sign3A_462 : i1 to i32
      %sign3A_464 = arith.constant 0 : i32
      %sign3A_465 = arith.cmpi slt, %sub3A_458, %sign3A_464 : i32
      %sign3A_466 = arith.extui %sign3A_465 : i1 to i32
      %sign3A_467 = arith.subi %sign3A_463, %sign3A_466 : i32
      %sign3A_468 = arith.constant 0 : i32
      %sign3A_469 = arith.cmpi sgt, %jit3A_459, %sign3A_468 : i32
      %sign3A_470 = arith.extui %sign3A_469 : i1 to i32
      %sign3A_471 = arith.constant 0 : i32
      %sign3A_472 = arith.cmpi slt, %jit3A_459, %sign3A_471 : i32
      %sign3A_473 = arith.extui %sign3A_472 : i1 to i32
      %sign3A_474 = arith.subi %sign3A_470, %sign3A_473 : i32
      %ne3A_475 = arith.cmpi ne, %sign3A_467, %sign3A_474 : i32
      %rem3A_476 = arith.remsi %sub3A_458, %jit3A_459 : i32
      %ne3A_477 = arith.constant 0 : i32
      %ne3A_478 = arith.cmpi ne, %rem3A_476, %ne3A_477 : i32
      %and3A_479 = arith.andi %ne3A_475, %ne3A_478 : i1
      %sub3A_480 = arith.constant 1 : i32
      %sub3A_481 = arith.subi %div3A_460, %sub3A_480 : i32
      %select_n3A_482 = arith.select %and3A_479, %sub3A_481, %div3A_460 : i32
      %rem3A_483 = arith.constant 8 : i32
      %rem3A_484 = arith.remsi %sub3A_458, %rem3A_483 : i32
      %mul3A_485 = arith.constant 128 : i32
      %mul3A_486 = arith.muli %rem3A_484, %mul3A_485 : i32
      %mul3A_487 = arith.constant 384 : i32
      %mul3A_488 = arith.muli %select_n3A, %mul3A_487 : i32
      %dma_start3A_489 = arith.constant 1 : i32
      %dma_start3A_490 = arith.constant 0 : i32
      %dma_start3A_491 = arith.constant 0 : i32
      %dma_start3A_492 = tpu.memref_slice %arg6[%dma_start3A_489, %dma_start3A_490, %dma_start3A_491] : memref<2x128x384xf32, #tpu.memory_space<vmem>> -> memref<1x128x384xf32, #tpu.memory_space<vmem>>
      %dma_start3A_493 = tpu.memref_squeeze %dma_start3A_492 : memref<1x128x384xf32, #tpu.memory_space<vmem>> -> memref<128x384xf32, #tpu.memory_space<vmem>>
      %dma_start3A_494 = tpu.memref_slice %arg4[%select_n3A_482, %mul3A_486, %mul3A_488] : memref<50x1024x768xf32, #tpu.memory_space<hbm>> -> memref<1x128x384xf32, #tpu.memory_space<hbm>>
      %dma_start3A_495 = tpu.memref_squeeze %dma_start3A_494 : memref<1x128x384xf32, #tpu.memory_space<hbm>> -> memref<128x384xf32, #tpu.memory_space<hbm>>
      %dma_start3A_496 = tpu.memref_slice %arg4[%select_n3A_482, %mul3A_486, %mul3A_488] : memref<50x1024x768xf32, #tpu.memory_space<hbm>> -> memref<1x128x384xf32, #tpu.memory_space<hbm>>
      %dma_start3A_497 = tpu.memref_squeeze %dma_start3A_496 : memref<1x128x384xf32, #tpu.memory_space<hbm>> -> memref<128x384xf32, #tpu.memory_space<hbm>>
      %dma_start3A_498 = arith.constant 0 : i32
      %dma_start3A_499 = arith.constant 0 : i32
      %dma_start3A_500 = tpu.memref_slice %arg6[%dma_start3A_489, %dma_start3A_498, %dma_start3A_499] : memref<2x128x384xf32, #tpu.memory_space<vmem>> -> memref<1x128x384xf32, #tpu.memory_space<vmem>>
      %dma_start3A_501 = tpu.memref_squeeze %dma_start3A_500 : memref<1x128x384xf32, #tpu.memory_space<vmem>> -> memref<128x384xf32, #tpu.memory_space<vmem>>
      tpu.enqueue_dma source(%dma_start3A_501 : memref<128x384xf32, #tpu.memory_space<vmem>>) target(%dma_start3A_497 : memref<128x384xf32, #tpu.memory_space<hbm>>) target_semaphore(%arg10 : memref<!tpu.dma_semaphore, #tpu.memory_space<semaphore_mem>>)
    }
    %scan3A_207 = arith.constant 11 : i32
    %dma_wait3A_208 = arith.constant 1 : i32
    %dma_wait3A_209 = arith.constant 0 : i32
    %dma_wait3A_210 = arith.constant 0 : i32
    %dma_wait3A_211 = arith.constant 0 : i32
    %dma_wait3A_212 = tpu.memref_slice %arg6[%dma_wait3A_208, %dma_wait3A_210, %dma_wait3A_211] : memref<2x128x384xf32, #tpu.memory_space<vmem>> -> memref<1x128x384xf32, #tpu.memory_space<vmem>>
    %dma_wait3A_213 = tpu.memref_squeeze %dma_wait3A_212 : memref<1x128x384xf32, #tpu.memory_space<vmem>> -> memref<128x384xf32, #tpu.memory_space<vmem>>
    %dma_wait3A_214 = arith.constant 0 : i32
    %dma_wait3A_215 = arith.constant 0 : i32
    %dma_wait3A_216 = tpu.memref_slice %arg4[%dma_wait3A_209, %dma_wait3A_214, %dma_wait3A_215] : memref<50x1024x768xf32, #tpu.memory_space<hbm>> -> memref<1x128x384xf32, #tpu.memory_space<hbm>>
    %dma_wait3A_217 = tpu.memref_squeeze %dma_wait3A_216 : memref<1x128x384xf32, #tpu.memory_space<hbm>> -> memref<128x384xf32, #tpu.memory_space<hbm>>
    %dma_wait3A_218 = arith.constant 0 : i32
    %dma_wait3A_219 = arith.constant 0 : i32
    %dma_wait3A_220 = tpu.memref_slice %arg4[%dma_wait3A_209, %dma_wait3A_218, %dma_wait3A_219] : memref<50x1024x768xf32, #tpu.memory_space<hbm>> -> memref<1x128x384xf32, #tpu.memory_space<hbm>>
    %dma_wait3A_221 = tpu.memref_squeeze %dma_wait3A_220 : memref<1x128x384xf32, #tpu.memory_space<hbm>> -> memref<128x384xf32, #tpu.memory_space<hbm>>
    %dma_wait3A_222 = arith.constant 0 : i32
    %dma_wait3A_223 = arith.constant 0 : i32
    %dma_wait3A_224 = tpu.memref_slice %arg6[%dma_wait3A_208, %dma_wait3A_222, %dma_wait3A_223] : memref<2x128x384xf32, #tpu.memory_space<vmem>> -> memref<1x128x384xf32, #tpu.memory_space<vmem>>
    %dma_wait3A_225 = tpu.memref_squeeze %dma_wait3A_224 : memref<1x128x384xf32, #tpu.memory_space<vmem>> -> memref<128x384xf32, #tpu.memory_space<vmem>>
    tpu.wait_dma2 semaphore(%arg10 : memref<!tpu.dma_semaphore, #tpu.memory_space<semaphore_mem>>) src(%dma_wait3A_225 : memref<128x384xf32, #tpu.memory_space<vmem>>) dst(%dma_wait3A_221 : memref<128x384xf32, #tpu.memory_space<hbm>>)
    %dma_wait3A_226 = arith.constant 0 : i32
    %dma_wait3A_227 = arith.constant 0 : i32
    %dma_wait3A_228 = arith.constant 0 : i32
    %dma_wait3A_229 = tpu.memref_slice %arg6[%dma_wait3A_226, %dma_wait3A_227, %dma_wait3A_228] : memref<2x128x384xf32, #tpu.memory_space<vmem>> -> memref<1x128x384xf32, #tpu.memory_space<vmem>>
    %dma_wait3A_230 = tpu.memref_squeeze %dma_wait3A_229 : memref<1x128x384xf32, #tpu.memory_space<vmem>> -> memref<128x384xf32, #tpu.memory_space<vmem>>
    %dma_wait3A_231 = arith.constant 0 : i32
    %dma_wait3A_232 = arith.constant 0 : i32
    %dma_wait3A_233 = tpu.memref_slice %arg2[%dma_wait3A_231, %dma_wait3A_232] : memref<1024x384xf32, #tpu.memory_space<hbm>> -> memref<128x384xf32, #tpu.memory_space<hbm>>
    %dma_wait3A_234 = arith.constant 0 : i32
    %dma_wait3A_235 = arith.constant 0 : i32
    %dma_wait3A_236 = tpu.memref_slice %arg6[%dma_wait3A_226, %dma_wait3A_234, %dma_wait3A_235] : memref<2x128x384xf32, #tpu.memory_space<vmem>> -> memref<1x128x384xf32, #tpu.memory_space<vmem>>
    %dma_wait3A_237 = tpu.memref_squeeze %dma_wait3A_236 : memref<1x128x384xf32, #tpu.memory_space<vmem>> -> memref<128x384xf32, #tpu.memory_space<vmem>>
    %dma_wait3A_238 = arith.constant 0 : i32
    %dma_wait3A_239 = arith.constant 0 : i32
    %dma_wait3A_240 = tpu.memref_slice %arg2[%dma_wait3A_238, %dma_wait3A_239] : memref<1024x384xf32, #tpu.memory_space<hbm>> -> memref<128x384xf32, #tpu.memory_space<hbm>>
    tpu.wait_dma2 semaphore(%arg7 : memref<!tpu.dma_semaphore, #tpu.memory_space<semaphore_mem>>) src(%dma_wait3A_240 : memref<128x384xf32, #tpu.memory_space<hbm>>) dst(%dma_wait3A_237 : memref<128x384xf32, #tpu.memory_space<vmem>>)
    %add3A_241 = arith.constant 24 : i32
    %add3A_242 = arith.addi %mul3A_18, %add3A_241 : i32
    %mul3A_243 = arith.constant 400 : i32
    %mul3A_244 = arith.muli %select_n3A, %mul3A_243 : i32
    %sub3A_245 = arith.subi %add3A_242, %mul3A_244 : i32
    %jit3A_246 = arith.constant 8 : i32
    %div3A_247 = arith.divsi %sub3A_245, %jit3A_246 : i32
    %sign3A_248 = arith.constant 0 : i32
    %sign3A_249 = arith.cmpi sgt, %sub3A_245, %sign3A_248 : i32
    %sign3A_250 = arith.extui %sign3A_249 : i1 to i32
    %sign3A_251 = arith.constant 0 : i32
    %sign3A_252 = arith.cmpi slt, %sub3A_245, %sign3A_251 : i32
    %sign3A_253 = arith.extui %sign3A_252 : i1 to i32
    %sign3A_254 = arith.subi %sign3A_250, %sign3A_253 : i32
    %sign3A_255 = arith.constant 0 : i32
    %sign3A_256 = arith.cmpi sgt, %jit3A_246, %sign3A_255 : i32
    %sign3A_257 = arith.extui %sign3A_256 : i1 to i32
    %sign3A_258 = arith.constant 0 : i32
    %sign3A_259 = arith.cmpi slt, %jit3A_246, %sign3A_258 : i32
    %sign3A_260 = arith.extui %sign3A_259 : i1 to i32
    %sign3A_261 = arith.subi %sign3A_257, %sign3A_260 : i32
    %ne3A_262 = arith.cmpi ne, %sign3A_254, %sign3A_261 : i32
    %rem3A_263 = arith.remsi %sub3A_245, %jit3A_246 : i32
    %ne3A_264 = arith.constant 0 : i32
    %ne3A_265 = arith.cmpi ne, %rem3A_263, %ne3A_264 : i32
    %and3A_266 = arith.andi %ne3A_262, %ne3A_265 : i1
    %sub3A_267 = arith.constant 1 : i32
    %sub3A_268 = arith.subi %div3A_247, %sub3A_267 : i32
    %select_n3A_269 = arith.select %and3A_266, %sub3A_268, %div3A_247 : i32
    %rem3A_270 = arith.constant 8 : i32
    %rem3A_271 = arith.remsi %sub3A_245, %rem3A_270 : i32
    %mul3A_272 = arith.constant 128 : i32
    %mul3A_273 = arith.muli %rem3A_271, %mul3A_272 : i32
    %mul3A_274 = arith.constant 384 : i32
    %mul3A_275 = arith.muli %select_n3A, %mul3A_274 : i32
    %dma_start3A_276 = arith.constant 0 : i32
    %dma_start3A_277 = arith.constant 0 : i32
    %dma_start3A_278 = arith.constant 0 : i32
    %dma_start3A_279 = tpu.memref_slice %arg6[%dma_start3A_276, %dma_start3A_277, %dma_start3A_278] : memref<2x128x384xf32, #tpu.memory_space<vmem>> -> memref<1x128x384xf32, #tpu.memory_space<vmem>>
    %dma_start3A_280 = tpu.memref_squeeze %dma_start3A_279 : memref<1x128x384xf32, #tpu.memory_space<vmem>> -> memref<128x384xf32, #tpu.memory_space<vmem>>
    %dma_start3A_281 = tpu.memref_slice %arg4[%select_n3A_269, %mul3A_273, %mul3A_275] : memref<50x1024x768xf32, #tpu.memory_space<hbm>> -> memref<1x128x384xf32, #tpu.memory_space<hbm>>
    %dma_start3A_282 = tpu.memref_squeeze %dma_start3A_281 : memref<1x128x384xf32, #tpu.memory_space<hbm>> -> memref<128x384xf32, #tpu.memory_space<hbm>>
    %dma_start3A_283 = tpu.memref_slice %arg4[%select_n3A_269, %mul3A_273, %mul3A_275] : memref<50x1024x768xf32, #tpu.memory_space<hbm>> -> memref<1x128x384xf32, #tpu.memory_space<hbm>>
    %dma_start3A_284 = tpu.memref_squeeze %dma_start3A_283 : memref<1x128x384xf32, #tpu.memory_space<hbm>> -> memref<128x384xf32, #tpu.memory_space<hbm>>
    %dma_start3A_285 = arith.constant 0 : i32
    %dma_start3A_286 = arith.constant 0 : i32
    %dma_start3A_287 = tpu.memref_slice %arg6[%dma_start3A_276, %dma_start3A_285, %dma_start3A_286] : memref<2x128x384xf32, #tpu.memory_space<vmem>> -> memref<1x128x384xf32, #tpu.memory_space<vmem>>
    %dma_start3A_288 = tpu.memref_squeeze %dma_start3A_287 : memref<1x128x384xf32, #tpu.memory_space<vmem>> -> memref<128x384xf32, #tpu.memory_space<vmem>>
    tpu.enqueue_dma source(%dma_start3A_288 : memref<128x384xf32, #tpu.memory_space<vmem>>) target(%dma_start3A_284 : memref<128x384xf32, #tpu.memory_space<hbm>>) target_semaphore(%arg9 : memref<!tpu.dma_semaphore, #tpu.memory_space<semaphore_mem>>)
    %dma_wait3A_289 = arith.constant 0 : i32
    %dma_wait3A_290 = arith.constant 0 : i32
    %dma_wait3A_291 = arith.constant 0 : i32
    %dma_wait3A_292 = arith.constant 0 : i32
    %dma_wait3A_293 = tpu.memref_slice %arg6[%dma_wait3A_289, %dma_wait3A_291, %dma_wait3A_292] : memref<2x128x384xf32, #tpu.memory_space<vmem>> -> memref<1x128x384xf32, #tpu.memory_space<vmem>>
    %dma_wait3A_294 = tpu.memref_squeeze %dma_wait3A_293 : memref<1x128x384xf32, #tpu.memory_space<vmem>> -> memref<128x384xf32, #tpu.memory_space<vmem>>
    %dma_wait3A_295 = arith.constant 0 : i32
    %dma_wait3A_296 = arith.constant 0 : i32
    %dma_wait3A_297 = tpu.memref_slice %arg4[%dma_wait3A_290, %dma_wait3A_295, %dma_wait3A_296] : memref<50x1024x768xf32, #tpu.memory_space<hbm>> -> memref<1x128x384xf32, #tpu.memory_space<hbm>>
    %dma_wait3A_298 = tpu.memref_squeeze %dma_wait3A_297 : memref<1x128x384xf32, #tpu.memory_space<hbm>> -> memref<128x384xf32, #tpu.memory_space<hbm>>
    %dma_wait3A_299 = arith.constant 0 : i32
    %dma_wait3A_300 = arith.constant 0 : i32
    %dma_wait3A_301 = tpu.memref_slice %arg4[%dma_wait3A_290, %dma_wait3A_299, %dma_wait3A_300] : memref<50x1024x768xf32, #tpu.memory_space<hbm>> -> memref<1x128x384xf32, #tpu.memory_space<hbm>>
    %dma_wait3A_302 = tpu.memref_squeeze %dma_wait3A_301 : memref<1x128x384xf32, #tpu.memory_space<hbm>> -> memref<128x384xf32, #tpu.memory_space<hbm>>
    %dma_wait3A_303 = arith.constant 0 : i32
    %dma_wait3A_304 = arith.constant 0 : i32
    %dma_wait3A_305 = tpu.memref_slice %arg6[%dma_wait3A_289, %dma_wait3A_303, %dma_wait3A_304] : memref<2x128x384xf32, #tpu.memory_space<vmem>> -> memref<1x128x384xf32, #tpu.memory_space<vmem>>
    %dma_wait3A_306 = tpu.memref_squeeze %dma_wait3A_305 : memref<1x128x384xf32, #tpu.memory_space<vmem>> -> memref<128x384xf32, #tpu.memory_space<vmem>>
    tpu.wait_dma2 semaphore(%arg9 : memref<!tpu.dma_semaphore, #tpu.memory_space<semaphore_mem>>) src(%dma_wait3A_306 : memref<128x384xf32, #tpu.memory_space<vmem>>) dst(%dma_wait3A_302 : memref<128x384xf32, #tpu.memory_space<hbm>>)
    return
  }
}

</mosaic_0001>

<sc_bundles>
// kernel: kernel.3.cloned.1.call-start
scs
__scs_entry_jumppad:
0x0: {  	(pc) =	sbr.rel $0x88, $3  }
0x1: {  	(tag) =	ssettag $0x0;
	lr =	simm.s32 $0x1  }
0x2: {  	[smem:$0x3F9E] =	sst lr;
	_ =	strace $0xD0000000  }
0x3: {  	_ = 	snop  }
0x4: {  	_ = 	snop  }
0x5: {  	_ = 	snop  }
0x6: {  	_ = 	snop  }
0x7: {  	_ = 	snop  }
__scs_overlays_trampoline_lowered:
0x8: {  	[smem:$0x3FAD] =	sst s0  }
0x9: {  	[smem:$0x3FAE] =	sst s1  }
0xa: {  	[smem:$0x3FAF] =	sst s2  }
0xb: {  	[smem:$0x3FB0] =	sst s3  }
0xc: {  	[smem:$0x3FB1] =	sst s4  }
0xd: {  	[smem:$0x3FB2] =	sst s5  }
0xe: {  	[smem:$0x3FB3] =	sst s6  }
0xf: {  	[smem:$0x3FB4] =	sst s7  }
0x10: {  	[smem:$0x3FB5] =	sst s8  }
0x11: {  	[smem:$0x3FB6] =	sst s9;
	s0 =	simm.s32 @!p0 $0x0  }
0x12: {  	s1 =	sld [smem:$0x3F9C];
	s0 =	simm.s32 @p0 $0x1  }
0x13: {  	[smem:$0x3FB7] =	sst s0;
	s0 =	simm.s32 @!p1 $0x0  }
0x14: {  	s2 =	sld [smem:$0x3F9B];
	s0 =	simm.s32 @p1 $0x1  }
0x15: {  	[smem:$0x3FB8] =	sst s0;
	s0 =	simm.s32 @!p2 $0x0  }
0x16: {  	s3 =	sld [smem:$0x3FDB];
	s0 =	simm.s32 @p2 $0x1  }
0x17: {  	s4 =	simm.s32 $0x1BF5;
	[smem:$0x3FBA] =	sst s0  }
0x18: {  	s0 =	sld [smem:$0x3F9D];
	_ =	swait.ge [sflag:s4], $0x0  }
0x19: {  	s7 =	sld [smem:$0x3F9E]  }
0x1a: {  	s8 =	sadd.s32 $0xFFFFE003, lr  }
0x1b: {  	s9 =	sadd.s32 $0xFFFFFEF7, lr;
	s5 =	simm.s32 $0xFFFFFFFF;
	p2 =	slt.u32 s8, $0xFFFFF086  }
0x1c: {  	p1 =	slt.u32 s9, $0xF7A;
	s5 =	simm.s32 @!p2 $0x0  }
0x1d: {  	s5 =	simm.s32 @p1 $0x1;
	p0 =	seq.s32 s7, s2  }
0x1e: {  	s7 =	smul.u32 @!p0 $0xF7A, s2;
	p2 =	seq.s32 @!p0 s5, $0x0  }
0x1f: {  	s9 =	smul.u32 $0xF7A, s1;
	s8 =	simm.s32 @!p0 $0x1BF5;
	p2 =	por !p2, p0  }
0x20: {  	[sflag:s8] =	ssyncset.s32 @!p0 $0xFFFFF086;
	s6 =	sadd.s32 @!p0 s3, s7;
	s7 =	simm.s32 @!p0 $0x108  }
0x21: {  	s3 =	sadd.s32 s3, s9;
	s6 =	sadd.s32 @!p0 $0x88, s6;
	s7 =	simm.s32 @p2 $0x1082  }
0x22: {  	[simem:s7], [sflag:s8] =	dma.local @!p0 [hbm:s6], $0xF7A  }
0x23: {  	s9 =	sor.u32 $0xD0000000, s2;
	s6 =	simm.s32 $0x108;
	_ =	swait.ge @!p0 [sflag:s8], $0x0  }
0x24: {  	s3 =	sadd.s32 $0x88, s3;
	s6 =	simm.s32 @!p1 $0x1082;
	[sflag:s4] =	ssyncset.s32 $0xFFFFF086  }
0x25: {  	[simem:s6], [sflag:s4] =	dma.local [hbm:s3], $0xF7A  }
0x26: {  	[smem:$0x3F9E] =	sst s1;
	(tag) =	ssettag s2;
	_ =	strace s9  }
0x27: {  	s1 =	sld [smem:$0x3FAE]  }
0x28: {  	s2 =	sld [smem:$0x3FAF]  }
0x29: {  	s4 =	sld [smem:$0x3FB1]  }
0x2a: {  	p0 =	seq.s32 s5, $0x0;
	s5 =	sld [smem:$0x3FB2]  }
0x2b: {  	s6 =	sld [smem:$0x3FB3]  }
0x2c: {  	s7 =	sld [smem:$0x3FB4]  }
0x2d: {  	s3 =	simm.s32 $0x108;
	s8 =	sld [smem:$0x3FB5]  }
0x2e: {  	s3 =	simm.s32 @!p0 $0x1082;
	s9 =	sld [smem:$0x3FB6]  }
0x2f: {  	lr =	sadd.s32 s0, s3;
	s0 =	sld [smem:$0x3FAD]  }
0x30: {  	s3 =	sld [smem:$0x3FB0]  }
0x31: {  	[smem:$0x3FB9] =	sst s10  }
0x32: {  	s10 =	sld [smem:$0x3FB7];
	_ =	sdelay $0x3  }
0x33: {  	p0 =	seq.s32 s10, $0x1;
	s10 =	sld [smem:$0x3FB9];
	_ =	sdelay $0x3  }
0x34: {  	[smem:$0x3FB9] =	sst s10  }
0x35: {  	s10 =	sld [smem:$0x3FB8];
	_ =	sdelay $0x3  }
0x36: {  	p1 =	seq.s32 s10, $0x1;
	s10 =	sld [smem:$0x3FB9];
	_ =	sdelay $0x3  }
0x37: {  	[smem:$0x3FB9] =	sst s10  }
0x38: {  	s10 =	sld [smem:$0x3FBA]  }
0x39: {  	_ = 	snop;
	(pc) =	sbr.ind lr, $3  }
0x3a: {  	_ = 	snop  }
0x3b: {  	_ = 	snop  }
0x3c: {  	p2 =	seq.s32 s10, $0x1;
	s10 =	sld [smem:$0x3FB9]  }
0x3d: {  	_ =	shalt  }
0x3e: {  	_ =	shalt  }
0x3f: {  	_ =	shalt  }
0x40: {  	_ =	shalt  }
0x41: {  	_ =	shalt  }
0x42: {  	_ =	shalt  }
0x43: {  	_ =	shalt  }
0x44: {  	_ =	shalt  }
0x45: {  	_ =	shalt  }
0x46: {  	_ =	shalt  }
0x47: {  	_ =	shalt  }
0x48: {  	_ =	shalt  }
0x49: {  	_ =	shalt  }
0x4a: {  	_ =	shalt  }
0x4b: {  	_ =	shalt  }
0x4c: {  	_ =	shalt  }
0x4d: {  	_ =	shalt  }
0x4e: {  	_ =	shalt  }
0x4f: {  	_ =	shalt  }
0x50: {  	_ =	shalt  }
0x51: {  	_ =	shalt  }
0x52: {  	_ =	shalt  }
0x53: {  	_ =	shalt  }
0x54: {  	_ =	shalt  }
0x55: {  	_ =	shalt  }
0x56: {  	_ =	shalt  }
0x57: {  	_ =	shalt  }
0x58: {  	_ =	shalt  }
0x59: {  	_ =	shalt  }
0x5a: {  	_ =	shalt  }
0x5b: {  	_ =	shalt  }
0x5c: {  	_ =	shalt  }
0x5d: {  	_ =	shalt  }
0x5e: {  	_ =	shalt  }
0x5f: {  	_ =	shalt  }
0x60: {  	_ =	shalt  }
0x61: {  	_ =	shalt  }
0x62: {  	_ =	shalt  }
0x63: {  	_ =	shalt  }
0x64: {  	_ =	shalt  }
0x65: {  	_ =	shalt  }
0x66: {  	_ =	shalt  }
0x67: {  	_ =	shalt  }
0x68: {  	_ =	shalt  }
0x69: {  	_ =	shalt  }
0x6a: {  	_ =	shalt  }
0x6b: {  	_ =	shalt  }
0x6c: {  	_ =	shalt  }
0x6d: {  	_ =	shalt  }
0x6e: {  	_ =	shalt  }
0x6f: {  	_ =	shalt  }
0x70: {  	_ =	shalt  }
0x71: {  	_ =	shalt  }
0x72: {  	_ =	shalt  }
0x73: {  	_ =	shalt  }
0x74: {  	_ =	shalt  }
0x75: {  	_ =	shalt  }
0x76: {  	_ =	shalt  }
0x77: {  	_ =	shalt  }
0x78: {  	_ =	shalt  }
0x79: {  	_ =	shalt  }
0x7a: {  	_ =	shalt  }
0x7b: {  	_ =	shalt  }
0x7c: {  	_ =	shalt  }
0x7d: {  	_ =	shalt  }
0x7e: {  	_ =	shalt  }
0x7f: {  	_ =	shalt  }
0x80: {  	_ =	shalt  }
0x81: {  	_ =	shalt  }
0x82: {  	_ =	shalt  }
0x83: {  	_ =	shalt  }
0x84: {  	_ =	shalt  }
0x85: {  	_ =	shalt  }
0x86: {  	_ =	shalt  }
0x87: {  	_ =	shalt  }
.Lfunc_end0:
.L_simem_size_0:
called_computation_lowered:
.L_overlay_start_0:
0x88: {  	s2 =	sld [smem:$0x3FD9]  }
0x89: {  	s3 =	sld [smem:$0x3FFE];
	_ =	sdelay $0x1  }
0x8a: {  	s1 =	srdreg.scid  }
0x8b: {  	s0 =	sand.u32 $0x1, s1  }
0x8c: {  	s17 =	sshll.u32 s0, $0xA;
	s2 =	sadd.s32 s3, s2  }
0x8d: {  	s2 =	sadd.s32 s2, s17  }
0x8e: {  	[smem:$0x3FC5] =	sst s2  }
0x8f: {  	_ = 	snop  }
0x90: {  	s2 =	sld [smem:$0x3FD0];
	(tm) =	ssettm $0x1  }
0x91: {  	s18 =	sld [smem:$0x3FFB];
	_ =	sdelay $0x3  }
0x92: {  	_ =	strace s18  }
0x93: {  	s3 =	sld [smem:$0x3FFC];
	_ =	sdelay $0x3  }
0x94: {  	_ =	strace s3  }
0x95: {  	s3 =	sld [smem:$0x3FFD];
	_ =	sdelay $0x3  }
0x96: {  	_ =	strace s3  }
0x97: {  	_ =	strace $0x8FFFFFFF  }
0x98: {  	s19 =	sld [smem:$0x3FDB];
	_ =	sdelay $0x1  }
0x99: {  	s4 =	simm.s32 $_scs_section_size  }
0x9a: {  	s5 =	simm.s32 $_size__tile_overlayer_lowered;
	s6 =	simm.s32 $_tile_overlayer_lowered  }
0x9b: {  	s22 =	simm.s32 $0x1BFF;
	s21 =	sshll.u32 s6, $0x1;
	s3 =	sadd.s32 s4, s19  }
0x9c: {  	s7 =	simm.s32 $0x0;
	s20 =	sshll.u32 s5, $0x1;
	s5 =	sadd.s32 s21, s3  }
0x9d: {  	[timem:s7], [sflag:s22] =	dma.local [hbm:s5], s20  }
0x9e: {  	_ =	swait.ge [sflag:s22], s20  }
0x9f: {  	s4 =	ssub.s32 $0x0, s20;
	[sflag:s22] =	ssyncset.done $0x0  }
0xa0: {  	[sflag:s22] =	ssyncadd.s32 s4;
	_ =	sdelay $0x1  }
0xa1: {  	s23 =	simm.s32 $0x1B8B  }
0xa2: {  	_ =	swait.ge [sflag:s23], $0x1  }
0xa3: {  	[sflag:s23] =	ssyncset.done $0x0  }
0xa4: {  	s25 =	simm.s32 $0x1B8E;
	s24 =	sld [smem:$0x3FFE];
	[sflag:s23] =	ssyncadd.s32 $0xFFFFFFFF  }
0xa5: {  	s26 =	simm.s32 $execute0_lowered;
	[smem:$0x3FD2] =	sst s25  }
0xa6: {  	s5 =	sshll.u32 s26, $0x1;
	_ =	strace $0x80000046;
	[dreg:$0x1] =	wrdreg $0xFFFFFFFF  }
0xa7: {  	s28 =	simm.s32 $_size_execute0_lowered;
	s3 =	sadd.s32 s3, s5;
	[dreg:$0x0] =	wrdreg $0x0  }
0xa8: {  	s5 =	sshll.u32 s28, $0x1;
	[dreg:$0x2] =	wrdreg s3  }
0xa9: {  	[dreg:$0x3] =	wrdreg s5  }
0xaa: {  	[dreg:$0x4] =	wrdreg $0xC0  }
0xab: {  	_ =	task [dreg:s7], $0x5FFFF  }
0xac: {  	[dreg:$0x1] =	wrdreg $0xFFFFFFFF  }
0xad: {  	[dreg:$0x0] =	wrdreg $0x60  }
0xae: {  	[dreg:$0x2] =	wrdreg s24  }
0xaf: {  	[dreg:$0x3] =	wrdreg s2  }
0xb0: {  	[dreg:$0x4] =	wrdreg $0x9  }
0xb1: {  	_ =	task.clear_ibuf [dreg:s7], $0x5FFFF;
	_ =	strace $0x90000046  }
0xb2: {  	s29 =	simm.s32 $0x9;
	_ =	strace $0x80000048  }
0xb3: {  	_ =	swait.ge [sflag:s29], $0x1  }
0xb4: {  	[sflag:s29] =	ssyncadd.s32 $0xFFFFFFFF  }
0xb5: {  	_ =	strace $0x90000048  }
0xb6: {  	_ =	sfence  }
0xb7: {  	s30 =	sld [smem:$0x0];
	_ =	sdelay $0x2  }
0xb8: {  	s31 =	sshll.u32 s1, $0xD;
	s1 =	sshrl.u32 s1, $0x2  }
0xb9: {  	s3 =	sand.u32 $0x4000, s31;
	s1 =	sadd.s32 s1, s30  }
0xba: {  	s0 =	sor.u32 s3, s0;
	s1 =	sshll.u32 s1, $0x11  }
0xbb: {  	s0 =	sor.u32 s1, s0  }
0xbc: {  	s0 =	sadd.s32 $0x8F2B, s0  }
0xbd: {  	[sflag:s0] =	ssyncadd.remote.s32 $0x1  }
0xbe: {  	_ =	sfence.sel $0xFFFF  }
0xbf: {  	[dreg:$0x0] =	wrdreg $0xFFFFFFFF;
	(pc) =	sbr.abs _section_cstart, $3  }
0xc0: {  	[dreg:$0x1] =	wrdreg $0xFFFFFFFF  }
0xc1: {  	_ =	task.clear_ibuf [dreg:s7], $0x2FFFF;
	_ =	strace $0x9FFFFFFF  }
0xc2: {  	(tm) =	ssettm $0x7FFFFFFF  }
0xc3: {  	_ =	shalt  }
tec
execute0_lowered:
.L_overlay_start_1:
0x0: {  	(tag) =	ssettag $0x1  }
0x1: {  	s0 =	srdreg.scid;
	s18 =	stileid.u32  }
0x2: {  	s2 =	rddreg [dreg:$0x1];
	s4 =	simm.s32 $0x0;
	s12 =	simm.s32 $0x1  }
0x3: {  	s30 =	simm.s32 $0x2400;
	s29 =	simm.s32 $0x6000;
	s31 =	simm.s32 $0x7C00  }
0x4: {  	s28 =	simm.s32 $0x3;
	s0 =	sand.u32 $0x1, s0;
	[smem:$0x7FF] =	sst s4  }
0x5: {  	s1 =	sshll.u32 s0, $0x4;
	s3 =	smul.u32 $0x190, s0;
	s10 =	ssub.s32 $0x2, s0  }
0x6: {  	s6 =	sor.u32 s18, s1;
	s1 =	rddreg [dreg:$0x0];
	_ =	strace $0x80000047  }
0x7: {  	s26 =	sshrl.u32 s10, $0x1;
	s8 =	smul.u32 $0x19, s6;
	s6 =	sshll.u32 s6, $0x9  }
0x8: {  	s5 =	sadd.s32 $0x4800, s1;
	[dreg:$0x9] =	wrdreg s3;
	s11 =	sadd.s32 s6, s1  }
0x9: {  	s6 =	ssub.s32 s10, s26;
	s7 =	ssub.s32 s8, s3;
	p0 =	sne.s32 s8, s3  }
0xa: {  	s11 =	sadd.s32 $0x800, s11;
	s9 =	sshrl.u32 s7, $0x1C;
	s14 =	sshra.s32 s7, $0x1F  }
0xb: {  	s12 =	simm.s32 @!p0 $0x0;
	[dreg:$0x3] =	wrdreg s11;
	s11 =	simm.s32 $0x1  }
0xc: {  	s9 =	sand.u32 $0x7, s9;
	s10 =	sor.u32 s12, s14;
	s14 =	sadd.s32 $0x1, s8  }
0xd: {  	s8 =	sadd.s32 $0x18, s8;
	s9 =	sadd.s32 s9, s7;
	p2 =	sne.s32 s10, $0x1  }
0xe: {  	s10 =	simm.s32 $0x1;
	s16 =	ssub.s32 s14, s3;
	s13 =	sand.u32 $0xFFFFFFF8, s9  }
0xf: {  	s23 =	ssub.s32 s8, s3;
	s9 =	sshrl.u32 s9, $0x3;
	s13 =	ssub.s32 s7, s13  }
0x10: {  	s17 =	sshrl.u32 s16, $0x1C;
	s19 =	sshra.s32 s16, $0x1F;
	s12 =	sand.u32 $0xFFFF, s13  }
0x11: {  	s24 =	sshrl.u32 s23, $0x1C;
	s7 =	smul.u32 $0xC00, s0;
	p1 =	sne.s32 s12, $0x0  }
0x12: {  	s15 =	sshll.u32 s13, $0x10;
	s13 =	sand.u32 $0x7, s24;
	p0 =	por !p1, !p2  }
0x13: {  	s12 =	sshra.s32 s15, $0x10;
	s13 =	sadd.s32 s13, s23;
	p0 =	por !p0, !p0  }
0x14: {  	s12 =	smul.u32 $0x18000, s12;
	s10 =	simm.s32 @!p0 $0x0;
	p0 =	sne.s32 s14, s3  }
0x15: {  	s14 =	simm.s32 $0x1;
	s9 =	ssub.s32 s9, s10;
	s10 =	sand.u32 $0x7, s17  }
0x16: {  	s11 =	simm.s32 @!p0 $0x0;
	s17 =	sshra.s32 s23, $0x1F;
	s10 =	sadd.s32 s10, s16  }
0x17: {  	s15 =	smul.u32 $0xC0000, s9;
	s20 =	sor.u32 s11, s19;
	s21 =	sand.u32 $0xFFFFFFF8, s10  }
0x18: {  	p3 =	sne.s32 s20, $0x1;
	s10 =	sshll.u32 s10, $0x10;
	s22 =	ssub.s32 s16, s21  }
0x19: {  	s10 =	sshra.s32 s10, $0x13;
	s16 =	sand.u32 $0xFFFFFFF8, s13;
	s13 =	sshll.u32 s13, $0x10  }
0x1a: {  	s21 =	sor.u32 s7, s12;
	s11 =	sand.u32 $0xFFFF, s22;
	s9 =	sshll.u32 s22, $0x10  }
0x1b: {  	p4 =	sne.s32 s11, $0x0;
	s9 =	sshra.s32 s9, $0x10;
	s11 =	ssub.s32 s23, s16  }
0x1c: {  	s16 =	simm.s32 $0x6C00;
	p0 =	por !p4, !p3;
	s25 =	sand.u32 $0xFFFF, s11  }
0x1d: {  	p0 =	por !p0, !p0;
	p6 =	sne.s32 s25, $0x0;
	s25 =	smax.u32 s6, $0x1  }
0x1e: {  	s6 =	simm.s32 $0x4800;
	s14 =	simm.s32 @!p0 $0x0;
	p0 =	sne.s32 s8, s3  }
0x1f: {  	s8 =	simm.s32 $0x1;
	s3 =	smul.u32 $0x18000, s9;
	[dreg:$0x7] =	wrdreg s25  }
0x20: {  	s25 =	simm.s32 $0x1C00;
	s8 =	simm.s32 @!p0 $0x0;
	s10 =	ssub.s32 s10, s14  }
0x21: {  	s14 =	simm.s32 $0x3400;
	s8 =	sor.u32 s8, s17;
	s26 =	smul.u32 $0xC0000, s10  }
0x22: {  	s17 =	sshll.u32 s11, $0x10;
	s11 =	simm.s32 $0x1;
	s10 =	sshll.u32 s0, $0x9  }
0x23: {  	s22 =	sor.u32 s7, s3;
	s3 =	simm.s32 $0x6400;
	p5 =	sne.s32 s8, $0x1  }
0x24: {  	s8 =	sshra.s32 s13, $0x13;
	s9 =	sshra.s32 s17, $0x10;
	s17 =	simm.s32 $0x1800  }
0x25: {  	s13 =	simm.s32 $0x2800;
	v0 =	vmov s10;
	s10 =	simm.s32 $0x18C00;
	p0 =	por !p6, !p5  }
0x26: {  	s20 =	smul.u32 $0x18000, s9;
	s9 =	simm.s32 $0x1;
	s12 =	sadd.s32 s26, s22  }
0x27: {  	s26 =	smul.u32 $0x19, s18;
	p0 =	por !p0, !p0;
	s23 =	sshrl.u32 s12, $0x3  }
0x28: {  	s18 =	simm.s32 $0x4C00;
	s11 =	simm.s32 @!p0 $0x0;
	s24 =	sadd.s32 s2, s23  }
0x29: {  	[dreg:$0x8] =	wrdreg s26;
	s26 =	simm.s32 $0x3000;
	s23 =	simm.s32 $0x3C00  }
0x2a: {  	s19 =	ssub.s32 s8, s11;
	s8 =	sadd.s32 $0x4900, s1;
	s11 =	sor.u32 s7, s20  }
0x2b: {  	s1 =	sadd.s32 s15, s21;
	[dreg:$0x5] =	wrdreg s24;
	s0 =	smul.u32 $0xC0000, s19  }
0x2c: {  	s15 =	simm.s32 $0x4000;
	s24 =	simm.s32 $0x5400;
	s20 =	simm.s32 $0x7000  }
0x2d: {  	s21 =	simm.s32 $0x2;
	s1 =	sshrl.u32 s1, $0x3;
	s0 =	sadd.s32 s0, s11  }
0x2e: {  	v3 =	vlaneseq.u32;
	s19 =	simm.s32 $0x5800;
	s1 =	sadd.s32 s2, s1;
	s0 =	sshrl.u32 s0, $0x3  }
0x2f: {  	vm0 =	vmmov $0xffff;
	vm1 =	vmmov $0xff;
	v2 =	vshrl.u32 v3, $0x3;
	[dreg:$0x4] =	wrdreg s1;
	s11 =	simm.s32 $0x4;
	s0 =	sadd.s32 s2, s0  }
0x30: {  	v1 =	vand.u32 $0x7, v3;
	v3 =	vor.u32 $0x8, v3;
	v2 =	vmul.u32 $0x8, v2;
	s2 =	simm.s32 $0x1000;
	[dreg:$0x6] =	wrdreg s0;
	s0 =	simm.s32 $0x0  }
.LBB2_1:
0x31: {  	[dreg:$0xa] =	wrdreg s0  }
0x32: {  	s1 =	rddreg [dreg:$0x3];
	s22 =	simm.s32 $0x5  }
0x33: {  	[tilespmem:s4], [sflag:$0x5] =	stream.linear.gather [hbm4b:s1+s4], $0xC80, $0x38;
	[tilespmem:$0x19000] =	vst v63  }
0x34: {  	_ =	swait.ge [sflag:s22], $0xC80  }
0x35: {  	[sflag:s22] =	ssyncset.done $0x0  }
0x36: {  	s1 =	simm.s32 $0x0;
	[sflag:s22] =	ssyncadd.s32 $0xFFFFF380  }
0x37: {  	v6 =	vld [tilespmem:s1+$0x0]  }
0x38: {  	v8 =	vld [tilespmem:s1+$0x10]  }
0x39: {  	v7 =	vld [tilespmem:s1+$0x20]  }
0x3a: {  	v5 =	vld [tilespmem:s1+$0x30]  }
0x3b: {  	v4 =	vld [tilespmem:s1+$0x40]  }
0x3c: {  	v9 =	vadd.s32 v0, v6;
	v6 =	vld [tilespmem:s1+$0x50]  }
0x3d: {  	s12 =	simm.s32 $0x200;
	[tilespmem:s1+$0x0] =	vst v9;
	v9 =	vadd.s32 v0, v8;
	v8 =	vld [tilespmem:s1+$0x60]  }
.LBB2_2:
0x3e: {  	s22 =	sshra.s32 s12, $0x2;
	p0 =	sne.s32 s12, $0x3000;
	[tilespmem:s1+$0x10] =	vst v9;
	v7 =	vadd.s32 v0, v7;
	v9 =	vld [tilespmem:s1+$0x70]  }
0x3f: {  	v10 =	vld [tilespmem:s22+$0x0];
	[tilespmem:s1+$0x20] =	vst v7;
	v5 =	vadd.s32 v0, v5  }
0x40: {  	v11 =	vld [tilespmem:s22+$0x10];
	[tilespmem:s1+$0x30] =	vst v5;
	v4 =	vadd.s32 v0, v4  }
.Ltmp0:
0x41: {  	v7 =	vld [tilespmem:s22+$0x20];
	[tilespmem:s1+$0x40] =	vst v4;
	v4 =	vadd.s32 v0, v6;
	(pc) =	sbr.rel @p0 .LBB2_2-.Ltmp0, $4  }
0x42: {  	v5 =	vld [tilespmem:s22+$0x30];
	[tilespmem:s1+$0x50] =	vst v4;
	v6 =	vadd.s32 v0, v8  }
0x43: {  	v4 =	vld [tilespmem:s22+$0x40];
	[tilespmem:s1+$0x60] =	vst v6;
	v8 =	vadd.s32 v0, v9  }
0x44: {  	v9 =	vadd.s32 v0, v10;
	v6 =	vld [tilespmem:s22+$0x50];
	[tilespmem:s1+$0x70] =	vst v8;
	s1 =	smov.u32 s22  }
0x45: {  	s12 =	sadd.s32 $0x200, s12;
	[tilespmem:s1+$0x0] =	vst v9;
	v9 =	vadd.s32 v0, v11;
	v8 =	vld [tilespmem:s1+$0x60]  }
0x46: {  	[tilespmem:s1+$0x10] =	vst v9;
	v7 =	vadd.s32 v0, v7;
	v63 =	vld [tilespmem:s1+$0x70]  }
0x47: {  	[tilespmem:s1+$0x20] =	vst v7;
	v5 =	vadd.s32 v0, v5  }
0x48: {  	[tilespmem:s1+$0x30] =	vst v5;
	v4 =	vadd.s32 v0, v4  }
0x49: {  	[tilespmem:s1+$0x40] =	vst v4;
	v4 =	vadd.s32 v0, v6  }
0x4a: {  	[tilespmem:s1+$0x50] =	vst v4;
	v4 =	vadd.s32 v0, v8  }
0x4b: {  	[tilespmem:s1+$0x60] =	vst v4;
	v4 =	vadd.s32 v0, v63  }
0x4c: {  	[tilespmem:s1+$0x70] =	vst v4  }
0x4d: {  	v4 =	vld [tilespmem:$0x0];
	_ =	sdelay $0x4  }
0x4e: {  	v5 =	vshrl.u32 v4, $0x3  }
0x4f: {  	v5 =	vmul.u32 $0x18, v5  }
0x50: {  	v4 =	vand.u32 $0x7, v4  }
0x51: {  	v4 =	vor.u32 v4, v5  }
0x52: {  	v5 =	vperm.xlane v4, v1;
	_ =	sdelay $0x1  }
0x53: {  	v5 =	vadd.s32 v2, v5;
	_ =	sdelay $0x1  }
0x54: {  	v4 =	vperm.xlane v4, v3;
	_ =	sdelay $0x1  }
0x55: {  	s22 =	simm.s32 $0x0;
	v4 =	vadd.s32 v2, v4  }
0x56: {  	[tilespmem:s2], [sflag:$0x1] =	stream.indirect_vreg.gather [hbm4b:s5+s22], $0x80, v5, vm0, $0xb8;
	[tilespmem:$0x19000] =	vst v63  }
0x57: {  	_ = 	snop  }
0x58: {  	[tilespmem:s17], [sflag:$0x1] =	stream.indirect_vreg.gather [hbm4b:s8+s22], $0x80, v5, vm1, $0xb8;
	[tilespmem:$0x19000] =	vst v63  }
0x59: {  	_ = 	snop  }
0x5a: {  	[tilespmem:s25], [sflag:$0x1] =	stream.indirect_vreg.gather [hbm4b:s5+s22], $0x80, v4, vm0, $0xb8;
	[tilespmem:$0x19000] =	vst v63  }
0x5b: {  	_ = 	snop  }
0x5c: {  	[tilespmem:s30], [sflag:$0x1] =	stream.indirect_vreg.gather [hbm4b:s8+s22], $0x80, v4, vm1, $0xb8;
	[tilespmem:$0x19000] =	vst v63  }
0x5d: {  	v4 =	vld [tilespmem:$0x10];
	_ =	sdelay $0x4  }
0x5e: {  	v5 =	vshrl.u32 v4, $0x3  }
0x5f: {  	v5 =	vmul.u32 $0x18, v5  }
0x60: {  	v4 =	vand.u32 $0x7, v4  }
0x61: {  	v4 =	vor.u32 v4, v5  }
0x62: {  	v5 =	vperm.xlane v4, v1;
	_ =	sdelay $0x1  }
0x63: {  	v5 =	vadd.s32 v2, v5;
	_ =	sdelay $0x1  }
0x64: {  	v4 =	vperm.xlane v4, v3;
	_ =	sdelay $0x1  }
0x65: {  	v4 =	vadd.s32 v2, v4  }
0x66: {  	[tilespmem:s13], [sflag:$0x1] =	stream.indirect_vreg.gather [hbm4b:s5+s22], $0x80, v5, vm0, $0xb8;
	[tilespmem:$0x19000] =	vst v63  }
0x67: {  	_ = 	snop  }
0x68: {  	[tilespmem:s26], [sflag:$0x1] =	stream.indirect_vreg.gather [hbm4b:s8+s22], $0x80, v5, vm1, $0xb8;
	[tilespmem:$0x19000] =	vst v63  }
0x69: {  	_ = 	snop  }
0x6a: {  	[tilespmem:s14], [sflag:$0x1] =	stream.indirect_vreg.gather [hbm4b:s5+s22], $0x80, v4, vm0, $0xb8;
	[tilespmem:$0x19000] =	vst v63  }
0x6b: {  	_ = 	snop  }
0x6c: {  	[tilespmem:s23], [sflag:$0x1] =	stream.indirect_vreg.gather [hbm4b:s8+s22], $0x80, v4, vm1, $0xb8;
	[tilespmem:$0x19000] =	vst v63  }
0x6d: {  	v4 =	vld [tilespmem:$0x20];
	_ =	sdelay $0x4  }
0x6e: {  	v5 =	vshrl.u32 v4, $0x3  }
0x6f: {  	v5 =	vmul.u32 $0x18, v5  }
0x70: {  	v4 =	vand.u32 $0x7, v4  }
0x71: {  	v4 =	vor.u32 v4, v5  }
0x72: {  	v5 =	vperm.xlane v4, v1;
	_ =	sdelay $0x1  }
0x73: {  	v5 =	vadd.s32 v2, v5;
	_ =	sdelay $0x1  }
0x74: {  	v4 =	vperm.xlane v4, v3;
	_ =	sdelay $0x1  }
0x75: {  	v4 =	vadd.s32 v2, v4  }
0x76: {  	[tilespmem:s15], [sflag:$0x1] =	stream.indirect_vreg.gather [hbm4b:s5+s22], $0x80, v5, vm0, $0xb8;
	[tilespmem:$0x19000] =	vst v63  }
0x77: {  	_ = 	snop  }
0x78: {  	[tilespmem:s6], [sflag:$0x1] =	stream.indirect_vreg.gather [hbm4b:s8+s22], $0x80, v5, vm1, $0xb8;
	[tilespmem:$0x19000] =	vst v63  }
0x79: {  	_ = 	snop  }
0x7a: {  	[tilespmem:s18], [sflag:$0x1] =	stream.indirect_vreg.gather [hbm4b:s5+s22], $0x80, v4, vm0, $0xb8;
	[tilespmem:$0x19000] =	vst v63  }
0x7b: {  	_ = 	snop  }
0x7c: {  	[tilespmem:s24], [sflag:$0x1] =	stream.indirect_vreg.gather [hbm4b:s8+s22], $0x80, v4, vm1, $0xb8;
	[tilespmem:$0x19000] =	vst v63  }
0x7d: {  	v4 =	vld [tilespmem:$0x30];
	_ =	sdelay $0x4  }
0x7e: {  	v5 =	vshrl.u32 v4, $0x3  }
0x7f: {  	v5 =	vmul.u32 $0x18, v5  }
0x80: {  	v4 =	vand.u32 $0x7, v4  }
0x81: {  	v4 =	vor.u32 v4, v5  }
0x82: {  	v5 =	vperm.xlane v4, v1;
	_ =	sdelay $0x1  }
0x83: {  	v5 =	vadd.s32 v2, v5;
	_ =	sdelay $0x1  }
0x84: {  	v4 =	vperm.xlane v4, v3;
	_ =	sdelay $0x1  }
0x85: {  	v4 =	vadd.s32 v2, v4  }
0x86: {  	[tilespmem:s19], [sflag:$0x1] =	stream.indirect_vreg.gather [hbm4b:s5+s22], $0x80, v5, vm0, $0xb8;
	[tilespmem:$0x19000] =	vst v63  }
0x87: {  	_ = 	snop  }
0x88: {  	[tilespmem:s29], [sflag:$0x1] =	stream.indirect_vreg.gather [hbm4b:s8+s22], $0x80, v5, vm1, $0xb8;
	[tilespmem:$0x19000] =	vst v63  }
0x89: {  	_ = 	snop  }
0x8a: {  	[tilespmem:s3], [sflag:$0x1] =	stream.indirect_vreg.gather [hbm4b:s5+s22], $0x80, v4, vm0, $0xb8;
	[tilespmem:$0x19000] =	vst v63  }
0x8b: {  	_ = 	snop  }
0x8c: {  	[tilespmem:s16], [sflag:$0x1] =	stream.indirect_vreg.gather [hbm4b:s8+s22], $0x80, v4, vm1, $0xb8;
	[tilespmem:$0x19000] =	vst v63  }
0x8d: {  	v4 =	vld [tilespmem:$0x40];
	_ =	sdelay $0x4  }
0x8e: {  	v5 =	vshrl.u32 v4, $0x3  }
0x8f: {  	v5 =	vmul.u32 $0x18, v5  }
0x90: {  	v4 =	vand.u32 $0x7, v4  }
0x91: {  	v4 =	vor.u32 v4, v5  }
0x92: {  	v5 =	vperm.xlane v4, v1;
	_ =	sdelay $0x1  }
0x93: {  	v5 =	vadd.s32 v2, v5;
	_ =	sdelay $0x1  }
0x94: {  	v4 =	vperm.xlane v4, v3;
	_ =	sdelay $0x1  }
0x95: {  	v4 =	vadd.s32 v2, v4  }
0x96: {  	[tilespmem:s20], [sflag:$0x1] =	stream.indirect_vreg.gather [hbm4b:s5+s22], $0x80, v5, vm0, $0xb8;
	[tilespmem:$0x19000] =	vst v63  }
0x97: {  	s0 =	simm.s32 $0x7800  }
0x98: {  	[tilespmem:s0], [sflag:$0x1] =	stream.indirect_vreg.gather [hbm4b:s8+s22], $0x80, v5, vm1, $0xb8;
	[tilespmem:$0x19000] =	vst v63  }
0x99: {  	_ = 	snop  }
0x9a: {  	[tilespmem:s31], [sflag:$0x1] =	stream.indirect_vreg.gather [hbm4b:s5+s22], $0x80, v4, vm0, $0xb8;
	[tilespmem:$0x19000] =	vst v63  }
0x9b: {  	s12 =	simm.s32 $0x8400  }
0x9c: {  	[tilespmem:s12], [sflag:$0x1] =	stream.indirect_vreg.gather [hbm4b:s8+s22], $0x80, v4, vm1, $0xb8;
	[tilespmem:$0x19000] =	vst v63  }
0x9d: {  	v4 =	vld [tilespmem:$0x50];
	_ =	sdelay $0x4  }
0x9e: {  	v5 =	vshrl.u32 v4, $0x3  }
0x9f: {  	v5 =	vmul.u32 $0x18, v5  }
0xa0: {  	v4 =	vand.u32 $0x7, v4  }
0xa1: {  	v4 =	vor.u32 v4, v5  }
0xa2: {  	v5 =	vperm.xlane v4, v1;
	_ =	sdelay $0x1  }
0xa3: {  	v5 =	vadd.s32 v2, v5;
	_ =	sdelay $0x1  }
0xa4: {  	v4 =	vperm.xlane v4, v3;
	_ =	sdelay $0x1  }
0xa5: {  	s1 =	simm.s32 $0x8800;
	v4 =	vadd.s32 v2, v4  }
0xa6: {  	[tilespmem:s1], [sflag:$0x1] =	stream.indirect_vreg.gather [hbm4b:s5+s22], $0x80, v5, vm0, $0xb8;
	[tilespmem:$0x19000] =	vst v63  }
0xa7: {  	s12 =	simm.s32 $0x9000  }
0xa8: {  	[tilespmem:s12], [sflag:$0x1] =	stream.indirect_vreg.gather [hbm4b:s8+s22], $0x80, v5, vm1, $0xb8;
	[tilespmem:$0x19000] =	vst v63  }
0xa9: {  	s1 =	simm.s32 $0x9400  }
0xaa: {  	[tilespmem:s1], [sflag:$0x1] =	stream.indirect_vreg.gather [hbm4b:s5+s22], $0x80, v4, vm0, $0xb8;
	[tilespmem:$0x19000] =	vst v63  }
0xab: {  	s12 =	simm.s32 $0x9C00  }
0xac: {  	[tilespmem:s12], [sflag:$0x1] =	stream.indirect_vreg.gather [hbm4b:s8+s22], $0x80, v4, vm1, $0xb8;
	[tilespmem:$0x19000] =	vst v63  }
0xad: {  	v4 =	vld [tilespmem:$0x60];
	_ =	sdelay $0x4  }
0xae: {  	v5 =	vshrl.u32 v4, $0x3  }
0xaf: {  	v5 =	vmul.u32 $0x18, v5  }
0xb0: {  	v4 =	vand.u32 $0x7, v4  }
0xb1: {  	v4 =	vor.u32 v4, v5  }
0xb2: {  	v5 =	vperm.xlane v4, v1;
	_ =	sdelay $0x1  }
0xb3: {  	v5 =	vadd.s32 v2, v5;
	_ =	sdelay $0x1  }
0xb4: {  	v4 =	vperm.xlane v4, v3;
	_ =	sdelay $0x1  }
0xb5: {  	s1 =	simm.s32 $0xA000;
	v4 =	vadd.s32 v2, v4  }
0xb6: {  	[tilespmem:s1], [sflag:$0x1] =	stream.indirect_vreg.gather [hbm4b:s5+s22], $0x80, v5, vm0, $0xb8;
	[tilespmem:$0x19000] =	vst v63  }
0xb7: {  	s12 =	simm.s32 $0xA800  }
0xb8: {  	[tilespmem:s12], [sflag:$0x1] =	stream.indirect_vreg.gather [hbm4b:s8+s22], $0x80, v5, vm1, $0xb8;
	[tilespmem:$0x19000] =	vst v63  }
0xb9: {  	s1 =	simm.s32 $0xAC00  }
0xba: {  	[tilespmem:s1], [sflag:$0x1] =	stream.indirect_vreg.gather [hbm4b:s5+s22], $0x80, v4, vm0, $0xb8;
	[tilespmem:$0x19000] =	vst v63  }
0xbb: {  	s12 =	simm.s32 $0xB400  }
0xbc: {  	[tilespmem:s12], [sflag:$0x1] =	stream.indirect_vreg.gather [hbm4b:s8+s22], $0x80, v4, vm1, $0xb8;
	[tilespmem:$0x19000] =	vst v63  }
0xbd: {  	v4 =	vld [tilespmem:$0x70];
	_ =	sdelay $0x4  }
0xbe: {  	v5 =	vshrl.u32 v4, $0x3  }
0xbf: {  	v5 =	vmul.u32 $0x18, v5  }
0xc0: {  	v4 =	vand.u32 $0x7, v4  }
0xc1: {  	v4 =	vor.u32 v4, v5  }
0xc2: {  	v5 =	vperm.xlane v4, v1;
	_ =	sdelay $0x1  }
0xc3: {  	v5 =	vadd.s32 v2, v5;
	_ =	sdelay $0x1  }
0xc4: {  	v4 =	vperm.xlane v4, v3;
	_ =	sdelay $0x1  }
0xc5: {  	s1 =	simm.s32 $0xB800;
	v4 =	vadd.s32 v2, v4  }
0xc6: {  	[tilespmem:s1], [sflag:$0x1] =	stream.indirect_vreg.gather [hbm4b:s5+s22], $0x80, v5, vm0, $0xb8;
	[tilespmem:$0x19000] =	vst v63  }
0xc7: {  	s12 =	simm.s32 $0xC000  }
0xc8: {  	[tilespmem:s12], [sflag:$0x1] =	stream.indirect_vreg.gather [hbm4b:s8+s22], $0x80, v5, vm1, $0xb8;
	[tilespmem:$0x19000] =	vst v63  }
0xc9: {  	s1 =	simm.s32 $0xC400  }
0xca: {  	[tilespmem:s1], [sflag:$0x1] =	stream.indirect_vreg.gather [hbm4b:s5+s22], $0x80, v4, vm0, $0xb8;
	[tilespmem:$0x19000] =	vst v63  }
0xcb: {  	s12 =	simm.s32 $0xCC00  }
0xcc: {  	[tilespmem:s12], [sflag:$0x1] =	stream.indirect_vreg.gather [hbm4b:s8+s22], $0x80, v4, vm1, $0xb8;
	[tilespmem:$0x19000] =	vst v63  }
0xcd: {  	v4 =	vld [tilespmem:$0x80];
	_ =	sdelay $0x4  }
0xce: {  	v5 =	vshrl.u32 v4, $0x3  }
0xcf: {  	v5 =	vmul.u32 $0x18, v5  }
0xd0: {  	v4 =	vand.u32 $0x7, v4  }
0xd1: {  	v4 =	vor.u32 v4, v5  }
0xd2: {  	v5 =	vperm.xlane v4, v1;
	_ =	sdelay $0x1  }
0xd3: {  	v5 =	vadd.s32 v2, v5;
	_ =	sdelay $0x1  }
0xd4: {  	v4 =	vperm.xlane v4, v3;
	_ =	sdelay $0x1  }
0xd5: {  	s12 =	simm.s32 $0xD000;
	v4 =	vadd.s32 v2, v4  }
0xd6: {  	[tilespmem:s12], [sflag:$0x2] =	stream.indirect_vreg.gather [hbm4b:s5+s22], $0x80, v5, vm0, $0xb8;
	[tilespmem:$0x19000] =	vst v63  }
0xd7: {  	s1 =	simm.s32 $0xD800  }
0xd8: {  	[tilespmem:s1], [sflag:$0x2] =	stream.indirect_vreg.gather [hbm4b:s8+s22], $0x80, v5, vm1, $0xb8;
	[tilespmem:$0x19000] =	vst v63  }
0xd9: {  	s1 =	simm.s32 $0xDC00  }
0xda: {  	[tilespmem:s1], [sflag:$0x2] =	stream.indirect_vreg.gather [hbm4b:s5+s22], $0x80, v4, vm0, $0xb8;
	[tilespmem:$0x19000] =	vst v63  }
0xdb: {  	s1 =	simm.s32 $0xE400  }
0xdc: {  	[tilespmem:s1], [sflag:$0x2] =	stream.indirect_vreg.gather [hbm4b:s8+s22], $0x80, v4, vm1, $0xb8;
	[tilespmem:$0x19000] =	vst v63  }
0xdd: {  	v4 =	vld [tilespmem:$0x90];
	_ =	sdelay $0x4  }
0xde: {  	v5 =	vshrl.u32 v4, $0x3  }
0xdf: {  	v5 =	vmul.u32 $0x18, v5  }
0xe0: {  	v4 =	vand.u32 $0x7, v4  }
0xe1: {  	v4 =	vor.u32 v4, v5  }
0xe2: {  	v5 =	vperm.xlane v4, v1;
	_ =	sdelay $0x1  }
0xe3: {  	v5 =	vadd.s32 v2, v5;
	_ =	sdelay $0x1  }
0xe4: {  	v4 =	vperm.xlane v4, v3;
	_ =	sdelay $0x1  }
0xe5: {  	s1 =	simm.s32 $0xE800;
	v4 =	vadd.s32 v2, v4  }
0xe6: {  	[tilespmem:s1], [sflag:$0x2] =	stream.indirect_vreg.gather [hbm4b:s5+s22], $0x80, v5, vm0, $0xb8;
	[tilespmem:$0x19000] =	vst v63  }
0xe7: {  	s1 =	simm.s32 $0xF000  }
0xe8: {  	[tilespmem:s1], [sflag:$0x2] =	stream.indirect_vreg.gather [hbm4b:s8+s22], $0x80, v5, vm1, $0xb8;
	[tilespmem:$0x19000] =	vst v63  }
0xe9: {  	s1 =	simm.s32 $0xF400  }
0xea: {  	[tilespmem:s1], [sflag:$0x2] =	stream.indirect_vreg.gather [hbm4b:s5+s22], $0x80, v4, vm0, $0xb8;
	[tilespmem:$0x19000] =	vst v63  }
0xeb: {  	s1 =	simm.s32 $0xFC00  }
0xec: {  	[tilespmem:s1], [sflag:$0x2] =	stream.indirect_vreg.gather [hbm4b:s8+s22], $0x80, v4, vm1, $0xb8;
	[tilespmem:$0x19000] =	vst v63  }
0xed: {  	v4 =	vld [tilespmem:$0xA0];
	_ =	sdelay $0x4  }
0xee: {  	v5 =	vshrl.u32 v4, $0x3  }
0xef: {  	v5 =	vmul.u32 $0x18, v5  }
0xf0: {  	v4 =	vand.u32 $0x7, v4  }
0xf1: {  	v4 =	vor.u32 v4, v5  }
0xf2: {  	v5 =	vperm.xlane v4, v1;
	_ =	sdelay $0x1  }
0xf3: {  	v5 =	vadd.s32 v2, v5;
	_ =	sdelay $0x1  }
0xf4: {  	v4 =	vperm.xlane v4, v3;
	_ =	sdelay $0x1  }
0xf5: {  	s1 =	simm.s32 $0x10000;
	v4 =	vadd.s32 v2, v4  }
0xf6: {  	[tilespmem:s1], [sflag:$0x2] =	stream.indirect_vreg.gather [hbm4b:s5+s22], $0x80, v5, vm0, $0xb8;
	[tilespmem:$0x19000] =	vst v63  }
0xf7: {  	s1 =	simm.s32 $0x10800  }
0xf8: {  	[tilespmem:s1], [sflag:$0x2] =	stream.indirect_vreg.gather [hbm4b:s8+s22], $0x80, v5, vm1, $0xb8;
	[tilespmem:$0x19000] =	vst v63  }
0xf9: {  	s1 =	simm.s32 $0x10C00  }
0xfa: {  	[tilespmem:s1], [sflag:$0x2] =	stream.indirect_vreg.gather [hbm4b:s5+s22], $0x80, v4, vm0, $0xb8;
	[tilespmem:$0x19000] =	vst v63  }
0xfb: {  	s1 =	simm.s32 $0x11400  }
0xfc: {  	[tilespmem:s1], [sflag:$0x2] =	stream.indirect_vreg.gather [hbm4b:s8+s22], $0x80, v4, vm1, $0xb8;
	[tilespmem:$0x19000] =	vst v63  }
0xfd: {  	v4 =	vld [tilespmem:$0xB0];
	_ =	sdelay $0x4  }
0xfe: {  	v5 =	vshrl.u32 v4, $0x3  }
0xff: {  	v5 =	vmul.u32 $0x18, v5  }
0x100: {  	v4 =	vand.u32 $0x7, v4  }
0x101: {  	v4 =	vor.u32 v4, v5  }
0x102: {  	v5 =	vperm.xlane v4, v1;
	_ =	sdelay $0x1  }
0x103: {  	v5 =	vadd.s32 v2, v5;
	_ =	sdelay $0x1  }
0x104: {  	v4 =	vperm.xlane v4, v3;
	_ =	sdelay $0x1  }
0x105: {  	s1 =	simm.s32 $0x11800;
	v4 =	vadd.s32 v2, v4  }
0x106: {  	[tilespmem:s1], [sflag:$0x2] =	stream.indirect_vreg.gather [hbm4b:s5+s22], $0x80, v5, vm0, $0xb8;
	[tilespmem:$0x19000] =	vst v63  }
0x107: {  	s1 =	simm.s32 $0x12000  }
0x108: {  	[tilespmem:s1], [sflag:$0x2] =	stream.indirect_vreg.gather [hbm4b:s8+s22], $0x80, v5, vm1, $0xb8;
	[tilespmem:$0x19000] =	vst v63  }
0x109: {  	s1 =	simm.s32 $0x12400  }
0x10a: {  	[tilespmem:s1], [sflag:$0x2] =	stream.indirect_vreg.gather [hbm4b:s5+s22], $0x80, v4, vm0, $0xb8;
	[tilespmem:$0x19000] =	vst v63  }
0x10b: {  	s1 =	simm.s32 $0x12C00  }
0x10c: {  	[tilespmem:s1], [sflag:$0x2] =	stream.indirect_vreg.gather [hbm4b:s8+s22], $0x80, v4, vm1, $0xb8;
	[tilespmem:$0x19000] =	vst v63  }
0x10d: {  	v4 =	vld [tilespmem:$0xC0];
	_ =	sdelay $0x4  }
0x10e: {  	v5 =	vshrl.u32 v4, $0x3  }
0x10f: {  	v5 =	vmul.u32 $0x18, v5  }
0x110: {  	v4 =	vand.u32 $0x7, v4  }
0x111: {  	v4 =	vor.u32 v4, v5  }
0x112: {  	v5 =	vperm.xlane v4, v1;
	_ =	sdelay $0x1  }
0x113: {  	v5 =	vadd.s32 v2, v5;
	_ =	sdelay $0x1  }
0x114: {  	v4 =	vperm.xlane v4, v3;
	_ =	sdelay $0x1  }
0x115: {  	s1 =	simm.s32 $0x13000;
	v4 =	vadd.s32 v2, v4  }
0x116: {  	[tilespmem:s1], [sflag:$0x2] =	stream.indirect_vreg.gather [hbm4b:s5+s22], $0x80, v5, vm0, $0xb8;
	[tilespmem:$0x19000] =	vst v63  }
0x117: {  	s1 =	simm.s32 $0x13800  }
0x118: {  	[tilespmem:s1], [sflag:$0x2] =	stream.indirect_vreg.gather [hbm4b:s8+s22], $0x80, v5, vm1, $0xb8;
	[tilespmem:$0x19000] =	vst v63  }
0x119: {  	s1 =	simm.s32 $0x13C00  }
0x11a: {  	[tilespmem:s1], [sflag:$0x2] =	stream.indirect_vreg.gather [hbm4b:s5+s22], $0x80, v4, vm0, $0xb8;
	[tilespmem:$0x19000] =	vst v63  }
0x11b: {  	s1 =	simm.s32 $0x14400  }
0x11c: {  	[tilespmem:s1], [sflag:$0x2] =	stream.indirect_vreg.gather [hbm4b:s8+s22], $0x80, v4, vm1, $0xb8;
	[tilespmem:$0x19000] =	vst v63  }
0x11d: {  	v4 =	vld [tilespmem:$0xD0];
	_ =	sdelay $0x4  }
0x11e: {  	v5 =	vshrl.u32 v4, $0x3  }
0x11f: {  	v5 =	vmul.u32 $0x18, v5  }
0x120: {  	v4 =	vand.u32 $0x7, v4  }
0x121: {  	v4 =	vor.u32 v4, v5  }
0x122: {  	v5 =	vperm.xlane v4, v1;
	_ =	sdelay $0x1  }
0x123: {  	v5 =	vadd.s32 v2, v5;
	_ =	sdelay $0x1  }
0x124: {  	v4 =	vperm.xlane v4, v3;
	_ =	sdelay $0x1  }
0x125: {  	s1 =	simm.s32 $0x14800;
	v4 =	vadd.s32 v2, v4  }
0x126: {  	[tilespmem:s1], [sflag:$0x2] =	stream.indirect_vreg.gather [hbm4b:s5+s22], $0x80, v5, vm0, $0xb8;
	[tilespmem:$0x19000] =	vst v63  }
0x127: {  	s1 =	simm.s32 $0x15000  }
0x128: {  	[tilespmem:s1], [sflag:$0x2] =	stream.indirect_vreg.gather [hbm4b:s8+s22], $0x80, v5, vm1, $0xb8;
	[tilespmem:$0x19000] =	vst v63  }
0x129: {  	s1 =	simm.s32 $0x15400  }
0x12a: {  	[tilespmem:s1], [sflag:$0x2] =	stream.indirect_vreg.gather [hbm4b:s5+s22], $0x80, v4, vm0, $0xb8;
	[tilespmem:$0x19000] =	vst v63  }
0x12b: {  	s1 =	simm.s32 $0x15C00  }
0x12c: {  	[tilespmem:s1], [sflag:$0x2] =	stream.indirect_vreg.gather [hbm4b:s8+s22], $0x80, v4, vm1, $0xb8;
	[tilespmem:$0x19000] =	vst v63  }
0x12d: {  	v4 =	vld [tilespmem:$0xE0];
	_ =	sdelay $0x4  }
0x12e: {  	v5 =	vshrl.u32 v4, $0x3  }
0x12f: {  	v5 =	vmul.u32 $0x18, v5  }
0x130: {  	v4 =	vand.u32 $0x7, v4  }
0x131: {  	v4 =	vor.u32 v4, v5  }
0x132: {  	v5 =	vperm.xlane v4, v1;
	_ =	sdelay $0x1  }
0x133: {  	v5 =	vadd.s32 v2, v5;
	_ =	sdelay $0x1  }
0x134: {  	v4 =	vperm.xlane v4, v3;
	_ =	sdelay $0x1  }
0x135: {  	s1 =	simm.s32 $0x16000;
	v4 =	vadd.s32 v2, v4  }
0x136: {  	[tilespmem:s1], [sflag:$0x2] =	stream.indirect_vreg.gather [hbm4b:s5+s22], $0x80, v5, vm0, $0xb8;
	[tilespmem:$0x19000] =	vst v63  }
0x137: {  	s1 =	simm.s32 $0x16800  }
0x138: {  	[tilespmem:s1], [sflag:$0x2] =	stream.indirect_vreg.gather [hbm4b:s8+s22], $0x80, v5, vm1, $0xb8;
	[tilespmem:$0x19000] =	vst v63  }
0x139: {  	s1 =	simm.s32 $0x16C00  }
0x13a: {  	[tilespmem:s1], [sflag:$0x2] =	stream.indirect_vreg.gather [hbm4b:s5+s22], $0x80, v4, vm0, $0xb8;
	[tilespmem:$0x19000] =	vst v63  }
0x13b: {  	s1 =	simm.s32 $0x17400  }
0x13c: {  	[tilespmem:s1], [sflag:$0x2] =	stream.indirect_vreg.gather [hbm4b:s8+s22], $0x80, v4, vm1, $0xb8;
	[tilespmem:$0x19000] =	vst v63  }
0x13d: {  	v4 =	vld [tilespmem:$0xF0];
	_ =	sdelay $0x4  }
0x13e: {  	v5 =	vshrl.u32 v4, $0x3  }
0x13f: {  	v5 =	vmul.u32 $0x18, v5  }
0x140: {  	v4 =	vand.u32 $0x7, v4  }
0x141: {  	v4 =	vor.u32 v4, v5  }
0x142: {  	v5 =	vperm.xlane v4, v1;
	_ =	sdelay $0x1  }
0x143: {  	v5 =	vadd.s32 v2, v5;
	_ =	sdelay $0x1  }
0x144: {  	v4 =	vperm.xlane v4, v3;
	_ =	sdelay $0x1  }
0x145: {  	s1 =	simm.s32 $0x17800;
	v4 =	vadd.s32 v2, v4  }
0x146: {  	[tilespmem:s1], [sflag:$0x2] =	stream.indirect_vreg.gather [hbm4b:s5+s22], $0x80, v5, vm0, $0xb8;
	[tilespmem:$0x19000] =	vst v63  }
0x147: {  	s1 =	simm.s32 $0x18000  }
0x148: {  	[tilespmem:s1], [sflag:$0x2] =	stream.indirect_vreg.gather [hbm4b:s8+s22], $0x80, v5, vm1, $0xb8;
	[tilespmem:$0x19000] =	vst v63  }
0x149: {  	s1 =	simm.s32 $0x18400  }
0x14a: {  	[tilespmem:s1], [sflag:$0x2] =	stream.indirect_vreg.gather [hbm4b:s5+s22], $0x80, v4, vm0, $0xb8;
	[tilespmem:$0x19000] =	vst v63  }
0x14b: {  	_ = 	snop  }
0x14c: {  	[tilespmem:s10], [sflag:$0x2] =	stream.indirect_vreg.gather [hbm4b:s8+s22], $0x80, v4, vm1, $0xb8;
	[tilespmem:$0x19000] =	vst v63  }
0x14d: {  	_ =	swait.ge [sflag:s9], $0xC000  }
0x14e: {  	[sflag:s9] =	ssyncset.done $0x0  }
0x14f: {  	s0 =	simm.s32 $0xC00;
	s10 =	rddreg [dreg:$0x4];
	[sflag:s9] =	ssyncadd.s32 $0xFFFF4000  }
0x150: {  	[hbm4b:s10+s0] =	stream.strided.scatter [tilespmem:s2], [sflag:$0x3], $0xC000, s17, s0, $0x38;
	[tilespmem:$0x19000] =	vst v63  }
0x151: {  	_ =	swait.ge [sflag:s28], $0xC000  }
0x152: {  	[sflag:s28] =	ssyncset.done $0x0  }
0x153: {  	[sflag:s28] =	ssyncadd.s32 $0xFFFF4000  }
0x154: {  	v4 =	vld [tilespmem:$0x100];
	_ =	sdelay $0x4  }
0x155: {  	v5 =	vshrl.u32 v4, $0x3  }
0x156: {  	v5 =	vmul.u32 $0x18, v5  }
0x157: {  	v4 =	vand.u32 $0x7, v4  }
0x158: {  	v4 =	vor.u32 v4, v5  }
0x159: {  	v5 =	vperm.xlane v4, v1;
	_ =	sdelay $0x1  }
0x15a: {  	v5 =	vadd.s32 v2, v5;
	_ =	sdelay $0x1  }
0x15b: {  	v4 =	vperm.xlane v4, v3;
	_ =	sdelay $0x1  }
0x15c: {  	v4 =	vadd.s32 v2, v4  }
0x15d: {  	[tilespmem:s2], [sflag:$0x1] =	stream.indirect_vreg.gather [hbm4b:s5+s22], $0x80, v5, vm0, $0xb8;
	[tilespmem:$0x19000] =	vst v63  }
0x15e: {  	_ = 	snop  }
0x15f: {  	[tilespmem:s17], [sflag:$0x1] =	stream.indirect_vreg.gather [hbm4b:s8+s22], $0x80, v5, vm1, $0xb8;
	[tilespmem:$0x19000] =	vst v63  }
0x160: {  	_ = 	snop  }
0x161: {  	[tilespmem:s25], [sflag:$0x1] =	stream.indirect_vreg.gather [hbm4b:s5+s22], $0x80, v4, vm0, $0xb8;
	[tilespmem:$0x19000] =	vst v63  }
0x162: {  	_ = 	snop  }
0x163: {  	[tilespmem:s30], [sflag:$0x1] =	stream.indirect_vreg.gather [hbm4b:s8+s22], $0x80, v4, vm1, $0xb8;
	[tilespmem:$0x19000] =	vst v63  }
0x164: {  	v4 =	vld [tilespmem:$0x110];
	_ =	sdelay $0x4  }
0x165: {  	v5 =	vshrl.u32 v4, $0x3  }
0x166: {  	v5 =	vmul.u32 $0x18, v5  }
0x167: {  	v4 =	vand.u32 $0x7, v4  }
0x168: {  	v4 =	vor.u32 v4, v5  }
0x169: {  	v5 =	vperm.xlane v4, v1;
	_ =	sdelay $0x1  }
0x16a: {  	v5 =	vadd.s32 v2, v5;
	_ =	sdelay $0x1  }
0x16b: {  	v4 =	vperm.xlane v4, v3;
	_ =	sdelay $0x1  }
0x16c: {  	v4 =	vadd.s32 v2, v4  }
0x16d: {  	[tilespmem:s13], [sflag:$0x1] =	stream.indirect_vreg.gather [hbm4b:s5+s22], $0x80, v5, vm0, $0xb8;
	[tilespmem:$0x19000] =	vst v63  }
0x16e: {  	_ = 	snop  }
0x16f: {  	[tilespmem:s26], [sflag:$0x1] =	stream.indirect_vreg.gather [hbm4b:s8+s22], $0x80, v5, vm1, $0xb8;
	[tilespmem:$0x19000] =	vst v63  }
0x170: {  	_ = 	snop  }
0x171: {  	[tilespmem:s14], [sflag:$0x1] =	stream.indirect_vreg.gather [hbm4b:s5+s22], $0x80, v4, vm0, $0xb8;
	[tilespmem:$0x19000] =	vst v63  }
0x172: {  	_ = 	snop  }
0x173: {  	[tilespmem:s23], [sflag:$0x1] =	stream.indirect_vreg.gather [hbm4b:s8+s22], $0x80, v4, vm1, $0xb8;
	[tilespmem:$0x19000] =	vst v63  }
0x174: {  	v4 =	vld [tilespmem:$0x120];
	_ =	sdelay $0x4  }
0x175: {  	v5 =	vshrl.u32 v4, $0x3  }
0x176: {  	v5 =	vmul.u32 $0x18, v5  }
0x177: {  	v4 =	vand.u32 $0x7, v4  }
0x178: {  	v4 =	vor.u32 v4, v5  }
0x179: {  	v5 =	vperm.xlane v4, v1;
	_ =	sdelay $0x1  }
0x17a: {  	v5 =	vadd.s32 v2, v5;
	_ =	sdelay $0x1  }
0x17b: {  	v4 =	vperm.xlane v4, v3;
	_ =	sdelay $0x1  }
0x17c: {  	v4 =	vadd.s32 v2, v4  }
0x17d: {  	[tilespmem:s15], [sflag:$0x1] =	stream.indirect_vreg.gather [hbm4b:s5+s22], $0x80, v5, vm0, $0xb8;
	[tilespmem:$0x19000] =	vst v63  }
0x17e: {  	_ = 	snop  }
0x17f: {  	[tilespmem:s6], [sflag:$0x1] =	stream.indirect_vreg.gather [hbm4b:s8+s22], $0x80, v5, vm1, $0xb8;
	[tilespmem:$0x19000] =	vst v63  }
0x180: {  	_ = 	snop  }
0x181: {  	[tilespmem:s18], [sflag:$0x1] =	stream.indirect_vreg.gather [hbm4b:s5+s22], $0x80, v4, vm0, $0xb8;
	[tilespmem:$0x19000] =	vst v63  }
0x182: {  	_ = 	snop  }
0x183: {  	[tilespmem:s24], [sflag:$0x1] =	stream.indirect_vreg.gather [hbm4b:s8+s22], $0x80, v4, vm1, $0xb8;
	[tilespmem:$0x19000] =	vst v63  }
0x184: {  	v4 =	vld [tilespmem:$0x130];
	_ =	sdelay $0x4  }
0x185: {  	v5 =	vshrl.u32 v4, $0x3  }
0x186: {  	v5 =	vmul.u32 $0x18, v5  }
0x187: {  	v4 =	vand.u32 $0x7, v4  }
0x188: {  	v4 =	vor.u32 v4, v5  }
0x189: {  	v5 =	vperm.xlane v4, v1;
	_ =	sdelay $0x1  }
0x18a: {  	v5 =	vadd.s32 v2, v5;
	_ =	sdelay $0x1  }
0x18b: {  	v4 =	vperm.xlane v4, v3;
	_ =	sdelay $0x1  }
0x18c: {  	v4 =	vadd.s32 v2, v4  }
0x18d: {  	[tilespmem:s19], [sflag:$0x1] =	stream.indirect_vreg.gather [hbm4b:s5+s22], $0x80, v5, vm0, $0xb8;
	[tilespmem:$0x19000] =	vst v63  }
0x18e: {  	_ = 	snop  }
0x18f: {  	[tilespmem:s29], [sflag:$0x1] =	stream.indirect_vreg.gather [hbm4b:s8+s22], $0x80, v5, vm1, $0xb8;
	[tilespmem:$0x19000] =	vst v63  }
0x190: {  	_ = 	snop  }
0x191: {  	[tilespmem:s3], [sflag:$0x1] =	stream.indirect_vreg.gather [hbm4b:s5+s22], $0x80, v4, vm0, $0xb8;
	[tilespmem:$0x19000] =	vst v63  }
0x192: {  	_ = 	snop  }
0x193: {  	[tilespmem:s16], [sflag:$0x1] =	stream.indirect_vreg.gather [hbm4b:s8+s22], $0x80, v4, vm1, $0xb8;
	[tilespmem:$0x19000] =	vst v63  }
0x194: {  	v4 =	vld [tilespmem:$0x140];
	_ =	sdelay $0x4  }
0x195: {  	v5 =	vshrl.u32 v4, $0x3  }
0x196: {  	v5 =	vmul.u32 $0x18, v5  }
0x197: {  	v4 =	vand.u32 $0x7, v4  }
0x198: {  	v4 =	vor.u32 v4, v5  }
0x199: {  	v5 =	vperm.xlane v4, v1;
	_ =	sdelay $0x1  }
0x19a: {  	v5 =	vadd.s32 v2, v5;
	_ =	sdelay $0x1  }
0x19b: {  	v4 =	vperm.xlane v4, v3;
	_ =	sdelay $0x1  }
0x19c: {  	v4 =	vadd.s32 v2, v4  }
0x19d: {  	[tilespmem:s20], [sflag:$0x1] =	stream.indirect_vreg.gather [hbm4b:s5+s22], $0x80, v5, vm0, $0xb8;
	[tilespmem:$0x19000] =	vst v63  }
0x19e: {  	s3 =	simm.s32 $0x7800  }
0x19f: {  	[tilespmem:s3], [sflag:$0x1] =	stream.indirect_vreg.gather [hbm4b:s8+s22], $0x80, v5, vm1, $0xb8;
	[tilespmem:$0x19000] =	vst v63  }
0x1a0: {  	_ = 	snop  }
0x1a1: {  	[tilespmem:s31], [sflag:$0x1] =	stream.indirect_vreg.gather [hbm4b:s5+s22], $0x80, v4, vm0, $0xb8;
	[tilespmem:$0x19000] =	vst v63  }
0x1a2: {  	s6 =	simm.s32 $0x8400  }
0x1a3: {  	[tilespmem:s6], [sflag:$0x1] =	stream.indirect_vreg.gather [hbm4b:s8+s22], $0x80, v4, vm1, $0xb8;
	[tilespmem:$0x19000] =	vst v63  }
0x1a4: {  	v4 =	vld [tilespmem:$0x150];
	_ =	sdelay $0x4  }
0x1a5: {  	v5 =	vshrl.u32 v4, $0x3  }
0x1a6: {  	v5 =	vmul.u32 $0x18, v5  }
0x1a7: {  	v4 =	vand.u32 $0x7, v4  }
0x1a8: {  	v4 =	vor.u32 v4, v5  }
0x1a9: {  	v5 =	vperm.xlane v4, v1;
	_ =	sdelay $0x1  }
0x1aa: {  	v5 =	vadd.s32 v2, v5;
	_ =	sdelay $0x1  }
0x1ab: {  	v4 =	vperm.xlane v4, v3;
	_ =	sdelay $0x1  }
0x1ac: {  	s10 =	simm.s32 $0x8800;
	v4 =	vadd.s32 v2, v4  }
0x1ad: {  	[tilespmem:s10], [sflag:$0x1] =	stream.indirect_vreg.gather [hbm4b:s5+s22], $0x80, v5, vm0, $0xb8;
	[tilespmem:$0x19000] =	vst v63  }
0x1ae: {  	s13 =	simm.s32 $0x9000  }
0x1af: {  	[tilespmem:s13], [sflag:$0x1] =	stream.indirect_vreg.gather [hbm4b:s8+s22], $0x80, v5, vm1, $0xb8;
	[tilespmem:$0x19000] =	vst v63  }
0x1b0: {  	s14 =	simm.s32 $0x9400  }
0x1b1: {  	[tilespmem:s14], [sflag:$0x1] =	stream.indirect_vreg.gather [hbm4b:s5+s22], $0x80, v4, vm0, $0xb8;
	[tilespmem:$0x19000] =	vst v63  }
0x1b2: {  	s15 =	simm.s32 $0x9C00  }
0x1b3: {  	[tilespmem:s15], [sflag:$0x1] =	stream.indirect_vreg.gather [hbm4b:s8+s22], $0x80, v4, vm1, $0xb8;
	[tilespmem:$0x19000] =	vst v63  }
0x1b4: {  	v4 =	vld [tilespmem:$0x160];
	_ =	sdelay $0x4  }
0x1b5: {  	v5 =	vshrl.u32 v4, $0x3  }
0x1b6: {  	v5 =	vmul.u32 $0x18, v5  }
0x1b7: {  	v4 =	vand.u32 $0x7, v4  }
0x1b8: {  	v4 =	vor.u32 v4, v5  }
0x1b9: {  	v5 =	vperm.xlane v4, v1;
	_ =	sdelay $0x1  }
0x1ba: {  	v5 =	vadd.s32 v2, v5;
	_ =	sdelay $0x1  }
0x1bb: {  	v4 =	vperm.xlane v4, v3;
	_ =	sdelay $0x1  }
0x1bc: {  	s16 =	simm.s32 $0xA000;
	v4 =	vadd.s32 v2, v4  }
0x1bd: {  	[tilespmem:s16], [sflag:$0x1] =	stream.indirect_vreg.gather [hbm4b:s5+s22], $0x80, v5, vm0, $0xb8;
	[tilespmem:$0x19000] =	vst v63  }
0x1be: {  	s18 =	simm.s32 $0xA800  }
0x1bf: {  	[tilespmem:s18], [sflag:$0x1] =	stream.indirect_vreg.gather [hbm4b:s8+s22], $0x80, v5, vm1, $0xb8;
	[tilespmem:$0x19000] =	vst v63  }
0x1c0: {  	s19 =	simm.s32 $0xAC00  }
0x1c1: {  	[tilespmem:s19], [sflag:$0x1] =	stream.indirect_vreg.gather [hbm4b:s5+s22], $0x80, v4, vm0, $0xb8;
	[tilespmem:$0x19000] =	vst v63  }
0x1c2: {  	s20 =	simm.s32 $0xB400  }
0x1c3: {  	[tilespmem:s20], [sflag:$0x1] =	stream.indirect_vreg.gather [hbm4b:s8+s22], $0x80, v4, vm1, $0xb8;
	[tilespmem:$0x19000] =	vst v63  }
0x1c4: {  	v4 =	vld [tilespmem:$0x170];
	_ =	sdelay $0x4  }
0x1c5: {  	v5 =	vshrl.u32 v4, $0x3  }
0x1c6: {  	v5 =	vmul.u32 $0x18, v5  }
0x1c7: {  	v4 =	vand.u32 $0x7, v4  }
0x1c8: {  	v4 =	vor.u32 v4, v5  }
0x1c9: {  	v5 =	vperm.xlane v4, v1;
	_ =	sdelay $0x1  }
0x1ca: {  	v5 =	vadd.s32 v2, v5;
	_ =	sdelay $0x1  }
0x1cb: {  	v4 =	vperm.xlane v4, v3;
	_ =	sdelay $0x1  }
0x1cc: {  	s23 =	simm.s32 $0xB800;
	v4 =	vadd.s32 v2, v4  }
0x1cd: {  	[tilespmem:s23], [sflag:$0x1] =	stream.indirect_vreg.gather [hbm4b:s5+s22], $0x80, v5, vm0, $0xb8;
	[tilespmem:$0x19000] =	vst v63  }
0x1ce: {  	s24 =	simm.s32 $0xC000  }
0x1cf: {  	[tilespmem:s24], [sflag:$0x1] =	stream.indirect_vreg.gather [hbm4b:s8+s22], $0x80, v5, vm1, $0xb8;
	[tilespmem:$0x19000] =	vst v63  }
0x1d0: {  	s2 =	simm.s32 $0x7C00;
	s25 =	simm.s32 $0xC400  }
0x1d1: {  	[tilespmem:s25], [sflag:$0x1] =	stream.indirect_vreg.gather [hbm4b:s5+s22], $0x80, v4, vm0, $0xb8;
	[tilespmem:$0x19000] =	vst v63  }
0x1d2: {  	s26 =	simm.s32 $0xCC00;
	s29 =	simm.s32 $0x3400;
	s31 =	simm.s32 $0x4C00  }
0x1d3: {  	[tilespmem:s26], [sflag:$0x1] =	stream.indirect_vreg.gather [hbm4b:s8+s22], $0x80, v4, vm1, $0xb8;
	[tilespmem:$0x19000] =	vst v63  }
0x1d4: {  	s6 =	simm.s32 $0x4000;
	s10 =	simm.s32 $0x6C00;
	_ =	swait.ge [sflag:s21], $0xC000  }
0x1d5: {  	s14 =	simm.s32 $0x18C00;
	s15 =	simm.s32 $0x3C00;
	s30 =	rddreg [dreg:$0x5]  }
0x1d6: {  	s18 =	simm.s32 $0x4800;
	[sflag:s21] =	ssyncset.done $0x0;
	s24 =	rddreg [dreg:$0x8]  }
0x1d7: {  	s19 =	simm.s32 $0x7000;
	s16 =	rddreg [dreg:$0x9];
	[sflag:s21] =	ssyncadd.s32 $0xFFFF4000  }
0x1d8: {  	[hbm4b:s30+s0] =	stream.strided.scatter [tilespmem:s12], [sflag:$0x4], $0xC000, s17, s0, $0x38;
	[tilespmem:$0x19000] =	vst v63  }
0x1d9: {  	s20 =	simm.s32 $0x6400;
	s26 =	simm.s32 $0x1000;
	s3 =	rddreg [dreg:$0x1]  }
.LBB2_4:
0x1da: {  	_ =	swait.ge [sflag:s11], $0xC000  }
0x1db: {  	[sflag:s11] =	ssyncset.done $0x0  }
0x1dc: {  	s1 =	sshra.s32 s22, $0x2;
	[sflag:s11] =	ssyncadd.s32 $0xFFFF4000  }
0x1dd: {  	v4 =	vld [tilespmem:s1+$0x180];
	_ =	sdelay $0x4  }
0x1de: {  	v5 =	vshrl.u32 v4, $0x3  }
0x1df: {  	v5 =	vmul.u32 $0x18, v5  }
0x1e0: {  	v4 =	vand.u32 $0x7, v4  }
0x1e1: {  	v4 =	vor.u32 v4, v5  }
0x1e2: {  	v5 =	vperm.xlane v4, v1;
	_ =	sdelay $0x1  }
0x1e3: {  	v5 =	vadd.s32 v2, v5;
	_ =	sdelay $0x1  }
0x1e4: {  	v4 =	vperm.xlane v4, v3;
	_ =	sdelay $0x1  }
0x1e5: {  	v4 =	vadd.s32 v2, v4  }
0x1e6: {  	[tilespmem:s12], [sflag:$0x2] =	stream.indirect_vreg.gather [hbm4b:s5+s4], $0x80, v5, vm0, $0xb8;
	[tilespmem:$0x19000] =	vst v63  }
0x1e7: {  	s13 =	simm.s32 $0xD800  }
0x1e8: {  	[tilespmem:s13], [sflag:$0x2] =	stream.indirect_vreg.gather [hbm4b:s8+s4], $0x80, v5, vm1, $0xb8;
	[tilespmem:$0x19000] =	vst v63  }
0x1e9: {  	s23 =	simm.s32 $0xDC00  }
0x1ea: {  	[tilespmem:s23], [sflag:$0x2] =	stream.indirect_vreg.gather [hbm4b:s5+s4], $0x80, v4, vm0, $0xb8;
	[tilespmem:$0x19000] =	vst v63  }
0x1eb: {  	s25 =	simm.s32 $0xE400  }
0x1ec: {  	[tilespmem:s25], [sflag:$0x2] =	stream.indirect_vreg.gather [hbm4b:s8+s4], $0x80, v4, vm1, $0xb8;
	[tilespmem:$0x19000] =	vst v63  }
0x1ed: {  	v4 =	vld [tilespmem:s1+$0x190];
	_ =	sdelay $0x4  }
0x1ee: {  	v5 =	vshrl.u32 v4, $0x3  }
0x1ef: {  	v5 =	vmul.u32 $0x18, v5  }
0x1f0: {  	v4 =	vand.u32 $0x7, v4  }
0x1f1: {  	v4 =	vor.u32 v4, v5  }
0x1f2: {  	v5 =	vperm.xlane v4, v1;
	_ =	sdelay $0x1  }
0x1f3: {  	v5 =	vadd.s32 v2, v5;
	_ =	sdelay $0x1  }
0x1f4: {  	v4 =	vperm.xlane v4, v3;
	_ =	sdelay $0x1  }
0x1f5: {  	s13 =	simm.s32 $0xE800;
	v4 =	vadd.s32 v2, v4  }
0x1f6: {  	[tilespmem:s13], [sflag:$0x2] =	stream.indirect_vreg.gather [hbm4b:s5+s4], $0x80, v5, vm0, $0xb8;
	[tilespmem:$0x19000] =	vst v63  }
0x1f7: {  	s23 =	simm.s32 $0xF000  }
0x1f8: {  	[tilespmem:s23], [sflag:$0x2] =	stream.indirect_vreg.gather [hbm4b:s8+s4], $0x80, v5, vm1, $0xb8;
	[tilespmem:$0x19000] =	vst v63  }
0x1f9: {  	s25 =	simm.s32 $0xF400  }
0x1fa: {  	[tilespmem:s25], [sflag:$0x2] =	stream.indirect_vreg.gather [hbm4b:s5+s4], $0x80, v4, vm0, $0xb8;
	[tilespmem:$0x19000] =	vst v63  }
0x1fb: {  	s13 =	simm.s32 $0xFC00  }
0x1fc: {  	[tilespmem:s13], [sflag:$0x2] =	stream.indirect_vreg.gather [hbm4b:s8+s4], $0x80, v4, vm1, $0xb8;
	[tilespmem:$0x19000] =	vst v63  }
0x1fd: {  	v4 =	vld [tilespmem:s1+$0x1A0];
	_ =	sdelay $0x4  }
0x1fe: {  	v5 =	vshrl.u32 v4, $0x3  }
0x1ff: {  	v5 =	vmul.u32 $0x18, v5  }
0x200: {  	v4 =	vand.u32 $0x7, v4  }
0x201: {  	v4 =	vor.u32 v4, v5  }
0x202: {  	v5 =	vperm.xlane v4, v1;
	_ =	sdelay $0x1  }
0x203: {  	v5 =	vadd.s32 v2, v5;
	_ =	sdelay $0x1  }
0x204: {  	v4 =	vperm.xlane v4, v3;
	_ =	sdelay $0x1  }
0x205: {  	s23 =	simm.s32 $0x10000;
	v4 =	vadd.s32 v2, v4  }
0x206: {  	[tilespmem:s23], [sflag:$0x2] =	stream.indirect_vreg.gather [hbm4b:s5+s4], $0x80, v5, vm0, $0xb8;
	[tilespmem:$0x19000] =	vst v63  }
0x207: {  	s25 =	simm.s32 $0x10800  }
0x208: {  	[tilespmem:s25], [sflag:$0x2] =	stream.indirect_vreg.gather [hbm4b:s8+s4], $0x80, v5, vm1, $0xb8;
	[tilespmem:$0x19000] =	vst v63  }
0x209: {  	s13 =	simm.s32 $0x10C00  }
0x20a: {  	[tilespmem:s13], [sflag:$0x2] =	stream.indirect_vreg.gather [hbm4b:s5+s4], $0x80, v4, vm0, $0xb8;
	[tilespmem:$0x19000] =	vst v63  }
0x20b: {  	s23 =	simm.s32 $0x11400  }
0x20c: {  	[tilespmem:s23], [sflag:$0x2] =	stream.indirect_vreg.gather [hbm4b:s8+s4], $0x80, v4, vm1, $0xb8;
	[tilespmem:$0x19000] =	vst v63  }
0x20d: {  	v4 =	vld [tilespmem:s1+$0x1B0];
	_ =	sdelay $0x4  }
0x20e: {  	v5 =	vshrl.u32 v4, $0x3  }
0x20f: {  	v5 =	vmul.u32 $0x18, v5  }
0x210: {  	v4 =	vand.u32 $0x7, v4  }
0x211: {  	v4 =	vor.u32 v4, v5  }
0x212: {  	v5 =	vperm.xlane v4, v1;
	_ =	sdelay $0x1  }
0x213: {  	v5 =	vadd.s32 v2, v5;
	_ =	sdelay $0x1  }
0x214: {  	v4 =	vperm.xlane v4, v3;
	_ =	sdelay $0x1  }
0x215: {  	s25 =	simm.s32 $0x11800;
	v4 =	vadd.s32 v2, v4  }
0x216: {  	[tilespmem:s25], [sflag:$0x2] =	stream.indirect_vreg.gather [hbm4b:s5+s4], $0x80, v5, vm0, $0xb8;
	[tilespmem:$0x19000] =	vst v63  }
0x217: {  	s13 =	simm.s32 $0x12000  }
0x218: {  	[tilespmem:s13], [sflag:$0x2] =	stream.indirect_vreg.gather [hbm4b:s8+s4], $0x80, v5, vm1, $0xb8;
	[tilespmem:$0x19000] =	vst v63  }
0x219: {  	s23 =	simm.s32 $0x12400  }
0x21a: {  	[tilespmem:s23], [sflag:$0x2] =	stream.indirect_vreg.gather [hbm4b:s5+s4], $0x80, v4, vm0, $0xb8;
	[tilespmem:$0x19000] =	vst v63  }
0x21b: {  	s25 =	simm.s32 $0x12C00  }
0x21c: {  	[tilespmem:s25], [sflag:$0x2] =	stream.indirect_vreg.gather [hbm4b:s8+s4], $0x80, v4, vm1, $0xb8;
	[tilespmem:$0x19000] =	vst v63  }
0x21d: {  	v4 =	vld [tilespmem:s1+$0x1C0];
	_ =	sdelay $0x4  }
0x21e: {  	v5 =	vshrl.u32 v4, $0x3  }
0x21f: {  	v5 =	vmul.u32 $0x18, v5  }
0x220: {  	v4 =	vand.u32 $0x7, v4  }
0x221: {  	v4 =	vor.u32 v4, v5  }
0x222: {  	v5 =	vperm.xlane v4, v1;
	_ =	sdelay $0x1  }
0x223: {  	v5 =	vadd.s32 v2, v5;
	_ =	sdelay $0x1  }
0x224: {  	v4 =	vperm.xlane v4, v3;
	_ =	sdelay $0x1  }
0x225: {  	s13 =	simm.s32 $0x13000;
	v4 =	vadd.s32 v2, v4  }
0x226: {  	[tilespmem:s13], [sflag:$0x2] =	stream.indirect_vreg.gather [hbm4b:s5+s4], $0x80, v5, vm0, $0xb8;
	[tilespmem:$0x19000] =	vst v63  }
0x227: {  	s23 =	simm.s32 $0x13800  }
0x228: {  	[tilespmem:s23], [sflag:$0x2] =	stream.indirect_vreg.gather [hbm4b:s8+s4], $0x80, v5, vm1, $0xb8;
	[tilespmem:$0x19000] =	vst v63  }
0x229: {  	s25 =	simm.s32 $0x13C00  }
0x22a: {  	[tilespmem:s25], [sflag:$0x2] =	stream.indirect_vreg.gather [hbm4b:s5+s4], $0x80, v4, vm0, $0xb8;
	[tilespmem:$0x19000] =	vst v63  }
0x22b: {  	s13 =	simm.s32 $0x14400  }
0x22c: {  	[tilespmem:s13], [sflag:$0x2] =	stream.indirect_vreg.gather [hbm4b:s8+s4], $0x80, v4, vm1, $0xb8;
	[tilespmem:$0x19000] =	vst v63  }
0x22d: {  	v4 =	vld [tilespmem:s1+$0x1D0];
	_ =	sdelay $0x4  }
0x22e: {  	v5 =	vshrl.u32 v4, $0x3  }
0x22f: {  	v5 =	vmul.u32 $0x18, v5  }
0x230: {  	v4 =	vand.u32 $0x7, v4  }
0x231: {  	v4 =	vor.u32 v4, v5  }
0x232: {  	v5 =	vperm.xlane v4, v1;
	_ =	sdelay $0x1  }
0x233: {  	v5 =	vadd.s32 v2, v5;
	_ =	sdelay $0x1  }
0x234: {  	v4 =	vperm.xlane v4, v3;
	_ =	sdelay $0x1  }
0x235: {  	s23 =	simm.s32 $0x14800;
	v4 =	vadd.s32 v2, v4  }
0x236: {  	[tilespmem:s23], [sflag:$0x2] =	stream.indirect_vreg.gather [hbm4b:s5+s4], $0x80, v5, vm0, $0xb8;
	[tilespmem:$0x19000] =	vst v63  }
0x237: {  	s25 =	simm.s32 $0x15000  }
0x238: {  	[tilespmem:s25], [sflag:$0x2] =	stream.indirect_vreg.gather [hbm4b:s8+s4], $0x80, v5, vm1, $0xb8;
	[tilespmem:$0x19000] =	vst v63  }
0x239: {  	s13 =	simm.s32 $0x15400  }
0x23a: {  	[tilespmem:s13], [sflag:$0x2] =	stream.indirect_vreg.gather [hbm4b:s5+s4], $0x80, v4, vm0, $0xb8;
	[tilespmem:$0x19000] =	vst v63  }
0x23b: {  	s23 =	simm.s32 $0x15C00  }
0x23c: {  	[tilespmem:s23], [sflag:$0x2] =	stream.indirect_vreg.gather [hbm4b:s8+s4], $0x80, v4, vm1, $0xb8;
	[tilespmem:$0x19000] =	vst v63  }
0x23d: {  	v4 =	vld [tilespmem:s1+$0x1E0];
	_ =	sdelay $0x4  }
0x23e: {  	v5 =	vshrl.u32 v4, $0x3  }
0x23f: {  	v5 =	vmul.u32 $0x18, v5  }
0x240: {  	v4 =	vand.u32 $0x7, v4  }
0x241: {  	v4 =	vor.u32 v4, v5  }
0x242: {  	v5 =	vperm.xlane v4, v1;
	_ =	sdelay $0x1  }
0x243: {  	v5 =	vadd.s32 v2, v5;
	_ =	sdelay $0x1  }
0x244: {  	v4 =	vperm.xlane v4, v3;
	_ =	sdelay $0x1  }
0x245: {  	s25 =	simm.s32 $0x16000;
	v4 =	vadd.s32 v2, v4  }
0x246: {  	[tilespmem:s25], [sflag:$0x2] =	stream.indirect_vreg.gather [hbm4b:s5+s4], $0x80, v5, vm0, $0xb8;
	[tilespmem:$0x19000] =	vst v63  }
0x247: {  	s13 =	simm.s32 $0x16800  }
0x248: {  	[tilespmem:s13], [sflag:$0x2] =	stream.indirect_vreg.gather [hbm4b:s8+s4], $0x80, v5, vm1, $0xb8;
	[tilespmem:$0x19000] =	vst v63  }
0x249: {  	s23 =	simm.s32 $0x16C00  }
0x24a: {  	[tilespmem:s23], [sflag:$0x2] =	stream.indirect_vreg.gather [hbm4b:s5+s4], $0x80, v4, vm0, $0xb8;
	[tilespmem:$0x19000] =	vst v63  }
0x24b: {  	s25 =	simm.s32 $0x17400  }
0x24c: {  	[tilespmem:s25], [sflag:$0x2] =	stream.indirect_vreg.gather [hbm4b:s8+s4], $0x80, v4, vm1, $0xb8;
	[tilespmem:$0x19000] =	vst v63  }
0x24d: {  	v4 =	vld [tilespmem:s1+$0x1F0];
	_ =	sdelay $0x4  }
0x24e: {  	v5 =	vshrl.u32 v4, $0x3  }
0x24f: {  	v5 =	vmul.u32 $0x18, v5  }
0x250: {  	v4 =	vand.u32 $0x7, v4  }
0x251: {  	v4 =	vor.u32 v4, v5  }
0x252: {  	v5 =	vperm.xlane v4, v1;
	_ =	sdelay $0x1  }
0x253: {  	v5 =	vadd.s32 v2, v5;
	_ =	sdelay $0x1  }
0x254: {  	v4 =	vperm.xlane v4, v3;
	_ =	sdelay $0x1  }
0x255: {  	s13 =	simm.s32 $0x17800;
	v4 =	vadd.s32 v2, v4  }
0x256: {  	[tilespmem:s13], [sflag:$0x2] =	stream.indirect_vreg.gather [hbm4b:s5+s4], $0x80, v5, vm0, $0xb8;
	[tilespmem:$0x19000] =	vst v63  }
0x257: {  	s23 =	simm.s32 $0x18000  }
0x258: {  	[tilespmem:s23], [sflag:$0x2] =	stream.indirect_vreg.gather [hbm4b:s8+s4], $0x80, v5, vm1, $0xb8;
	[tilespmem:$0x19000] =	vst v63  }
0x259: {  	s12 =	sadd.s32 s24, s16;
	s25 =	simm.s32 $0x18400  }
0x25a: {  	[tilespmem:s25], [sflag:$0x2] =	stream.indirect_vreg.gather [hbm4b:s5+s4], $0x80, v4, vm0, $0xb8;
	[tilespmem:$0x19000] =	vst v63  }
0x25b: {  	s25 =	sadd.s32 $0x2, s12  }
0x25c: {  	s23 =	sadd.s32 $0x2, s24;
	s25 =	sand.u32 $0x7, s25  }
0x25d: {  	[tilespmem:s14], [sflag:$0x2] =	stream.indirect_vreg.gather [hbm4b:s8+s4], $0x80, v4, vm1, $0xb8;
	[tilespmem:$0x19000] =	vst v63  }
0x25e: {  	p0 =	slt.s32 s23, $0x0;
	p1 =	sne.s32 s25, $0x0  }
0x25f: {  	p0 =	por !p1, !p0  }
0x260: {  	s30 =	simm.s32 $0x1;
	p0 =	por !p0, !p0  }
0x261: {  	s13 =	sshrl.u32 s23, $0x3;
	s30 =	simm.s32 @!p0 $0x0  }
0x262: {  	s25 =	smul.u32 $0x18000, s25;
	s13 =	ssub.s32 s13, s30  }
0x263: {  	s13 =	smul.u32 $0xC0000, s13  }
0x264: {  	s25 =	sor.u32 s7, s25  }
0x265: {  	_ =	swait.ge [sflag:s9], $0xC000;
	s13 =	sadd.s32 s13, s25  }
0x266: {  	[sflag:s9] =	ssyncset.done $0x0;
	s13 =	sshrl.u32 s13, $0x3  }
0x267: {  	[sflag:s9] =	ssyncadd.s32 $0xFFFF4000;
	s13 =	sadd.s32 s3, s13  }
0x268: {  	[hbm4b:s13+s0] =	stream.strided.scatter [tilespmem:s26], [sflag:$0x3], $0xC000, s17, s0, $0x38;
	[tilespmem:$0x19000] =	vst v63  }
0x269: {  	_ =	swait.ge [sflag:s28], $0xC000  }
0x26a: {  	[sflag:s28] =	ssyncset.done $0x0  }
0x26b: {  	[sflag:s28] =	ssyncadd.s32 $0xFFFF4000  }
0x26c: {  	v4 =	vld [tilespmem:s1+$0x200];
	_ =	sdelay $0x4  }
0x26d: {  	v5 =	vshrl.u32 v4, $0x3  }
0x26e: {  	v5 =	vmul.u32 $0x18, v5  }
0x26f: {  	v4 =	vand.u32 $0x7, v4  }
0x270: {  	v4 =	vor.u32 v4, v5  }
0x271: {  	v5 =	vperm.xlane v4, v1;
	_ =	sdelay $0x1  }
0x272: {  	v5 =	vadd.s32 v2, v5;
	_ =	sdelay $0x1  }
0x273: {  	v4 =	vperm.xlane v4, v3;
	_ =	sdelay $0x1  }
0x274: {  	v4 =	vadd.s32 v2, v4  }
0x275: {  	[tilespmem:s26], [sflag:$0x1] =	stream.indirect_vreg.gather [hbm4b:s5+s4], $0x80, v5, vm0, $0xb8;
	[tilespmem:$0x19000] =	vst v63  }
0x276: {  	_ = 	snop  }
0x277: {  	[tilespmem:s17], [sflag:$0x1] =	stream.indirect_vreg.gather [hbm4b:s8+s4], $0x80, v5, vm1, $0xb8;
	[tilespmem:$0x19000] =	vst v63  }
0x278: {  	s25 =	simm.s32 $0x1C00  }
0x279: {  	[tilespmem:s25], [sflag:$0x1] =	stream.indirect_vreg.gather [hbm4b:s5+s4], $0x80, v4, vm0, $0xb8;
	[tilespmem:$0x19000] =	vst v63  }
0x27a: {  	s30 =	simm.s32 $0x2400  }
0x27b: {  	[tilespmem:s30], [sflag:$0x1] =	stream.indirect_vreg.gather [hbm4b:s8+s4], $0x80, v4, vm1, $0xb8;
	[tilespmem:$0x19000] =	vst v63  }
0x27c: {  	v4 =	vld [tilespmem:s1+$0x210];
	_ =	sdelay $0x4  }
0x27d: {  	v5 =	vshrl.u32 v4, $0x3  }
0x27e: {  	v5 =	vmul.u32 $0x18, v5  }
0x27f: {  	v4 =	vand.u32 $0x7, v4  }
0x280: {  	v4 =	vor.u32 v4, v5  }
0x281: {  	v5 =	vperm.xlane v4, v1;
	_ =	sdelay $0x1  }
0x282: {  	v5 =	vadd.s32 v2, v5;
	_ =	sdelay $0x1  }
0x283: {  	v4 =	vperm.xlane v4, v3;
	_ =	sdelay $0x1  }
0x284: {  	s13 =	simm.s32 $0x2800;
	v4 =	vadd.s32 v2, v4  }
0x285: {  	[tilespmem:s13], [sflag:$0x1] =	stream.indirect_vreg.gather [hbm4b:s5+s4], $0x80, v5, vm0, $0xb8;
	[tilespmem:$0x19000] =	vst v63  }
0x286: {  	s13 =	simm.s32 $0x3000  }
0x287: {  	[tilespmem:s13], [sflag:$0x1] =	stream.indirect_vreg.gather [hbm4b:s8+s4], $0x80, v5, vm1, $0xb8;
	[tilespmem:$0x19000] =	vst v63  }
0x288: {  	_ = 	snop  }
0x289: {  	[tilespmem:s29], [sflag:$0x1] =	stream.indirect_vreg.gather [hbm4b:s5+s4], $0x80, v4, vm0, $0xb8;
	[tilespmem:$0x19000] =	vst v63  }
0x28a: {  	_ = 	snop  }
0x28b: {  	[tilespmem:s15], [sflag:$0x1] =	stream.indirect_vreg.gather [hbm4b:s8+s4], $0x80, v4, vm1, $0xb8;
	[tilespmem:$0x19000] =	vst v63  }
0x28c: {  	v4 =	vld [tilespmem:s1+$0x220];
	_ =	sdelay $0x4  }
0x28d: {  	v5 =	vshrl.u32 v4, $0x3  }
0x28e: {  	v5 =	vmul.u32 $0x18, v5  }
0x28f: {  	v4 =	vand.u32 $0x7, v4  }
0x290: {  	v4 =	vor.u32 v4, v5  }
0x291: {  	v5 =	vperm.xlane v4, v1;
	_ =	sdelay $0x1  }
0x292: {  	v5 =	vadd.s32 v2, v5;
	_ =	sdelay $0x1  }
0x293: {  	v4 =	vperm.xlane v4, v3;
	_ =	sdelay $0x1  }
0x294: {  	v4 =	vadd.s32 v2, v4  }
0x295: {  	[tilespmem:s6], [sflag:$0x1] =	stream.indirect_vreg.gather [hbm4b:s5+s4], $0x80, v5, vm0, $0xb8;
	[tilespmem:$0x19000] =	vst v63  }
0x296: {  	_ = 	snop  }
0x297: {  	[tilespmem:s18], [sflag:$0x1] =	stream.indirect_vreg.gather [hbm4b:s8+s4], $0x80, v5, vm1, $0xb8;
	[tilespmem:$0x19000] =	vst v63  }
0x298: {  	_ = 	snop  }
0x299: {  	[tilespmem:s31], [sflag:$0x1] =	stream.indirect_vreg.gather [hbm4b:s5+s4], $0x80, v4, vm0, $0xb8;
	[tilespmem:$0x19000] =	vst v63  }
0x29a: {  	s13 =	simm.s32 $0x5400  }
0x29b: {  	[tilespmem:s13], [sflag:$0x1] =	stream.indirect_vreg.gather [hbm4b:s8+s4], $0x80, v4, vm1, $0xb8;
	[tilespmem:$0x19000] =	vst v63  }
0x29c: {  	v4 =	vld [tilespmem:s1+$0x230];
	_ =	sdelay $0x4  }
0x29d: {  	v5 =	vshrl.u32 v4, $0x3  }
0x29e: {  	v5 =	vmul.u32 $0x18, v5  }
0x29f: {  	v4 =	vand.u32 $0x7, v4  }
0x2a0: {  	v4 =	vor.u32 v4, v5  }
0x2a1: {  	v5 =	vperm.xlane v4, v1;
	_ =	sdelay $0x1  }
0x2a2: {  	v5 =	vadd.s32 v2, v5;
	_ =	sdelay $0x1  }
0x2a3: {  	v4 =	vperm.xlane v4, v3;
	_ =	sdelay $0x1  }
0x2a4: {  	s13 =	simm.s32 $0x5800;
	v4 =	vadd.s32 v2, v4  }
0x2a5: {  	[tilespmem:s13], [sflag:$0x1] =	stream.indirect_vreg.gather [hbm4b:s5+s4], $0x80, v5, vm0, $0xb8;
	[tilespmem:$0x19000] =	vst v63  }
0x2a6: {  	s13 =	simm.s32 $0x6000  }
0x2a7: {  	[tilespmem:s13], [sflag:$0x1] =	stream.indirect_vreg.gather [hbm4b:s8+s4], $0x80, v5, vm1, $0xb8;
	[tilespmem:$0x19000] =	vst v63  }
0x2a8: {  	_ = 	snop  }
0x2a9: {  	[tilespmem:s20], [sflag:$0x1] =	stream.indirect_vreg.gather [hbm4b:s5+s4], $0x80, v4, vm0, $0xb8;
	[tilespmem:$0x19000] =	vst v63  }
0x2aa: {  	_ = 	snop  }
0x2ab: {  	[tilespmem:s10], [sflag:$0x1] =	stream.indirect_vreg.gather [hbm4b:s8+s4], $0x80, v4, vm1, $0xb8;
	[tilespmem:$0x19000] =	vst v63  }
0x2ac: {  	v4 =	vld [tilespmem:s1+$0x240];
	_ =	sdelay $0x4  }
0x2ad: {  	v5 =	vshrl.u32 v4, $0x3  }
0x2ae: {  	v5 =	vmul.u32 $0x18, v5  }
0x2af: {  	v4 =	vand.u32 $0x7, v4  }
0x2b0: {  	v4 =	vor.u32 v4, v5  }
0x2b1: {  	v5 =	vperm.xlane v4, v1;
	_ =	sdelay $0x1  }
0x2b2: {  	v5 =	vadd.s32 v2, v5;
	_ =	sdelay $0x1  }
0x2b3: {  	v4 =	vperm.xlane v4, v3;
	_ =	sdelay $0x1  }
0x2b4: {  	v4 =	vadd.s32 v2, v4  }
0x2b5: {  	[tilespmem:s19], [sflag:$0x1] =	stream.indirect_vreg.gather [hbm4b:s5+s4], $0x80, v5, vm0, $0xb8;
	[tilespmem:$0x19000] =	vst v63  }
0x2b6: {  	s13 =	simm.s32 $0x7800  }
0x2b7: {  	[tilespmem:s13], [sflag:$0x1] =	stream.indirect_vreg.gather [hbm4b:s8+s4], $0x80, v5, vm1, $0xb8;
	[tilespmem:$0x19000] =	vst v63  }
0x2b8: {  	_ = 	snop  }
0x2b9: {  	[tilespmem:s2], [sflag:$0x1] =	stream.indirect_vreg.gather [hbm4b:s5+s4], $0x80, v4, vm0, $0xb8;
	[tilespmem:$0x19000] =	vst v63  }
0x2ba: {  	s13 =	simm.s32 $0x8400  }
0x2bb: {  	[tilespmem:s13], [sflag:$0x1] =	stream.indirect_vreg.gather [hbm4b:s8+s4], $0x80, v4, vm1, $0xb8;
	[tilespmem:$0x19000] =	vst v63  }
0x2bc: {  	v4 =	vld [tilespmem:s1+$0x250];
	_ =	sdelay $0x4  }
0x2bd: {  	v5 =	vshrl.u32 v4, $0x3  }
0x2be: {  	v5 =	vmul.u32 $0x18, v5  }
0x2bf: {  	v4 =	vand.u32 $0x7, v4  }
0x2c0: {  	v4 =	vor.u32 v4, v5  }
0x2c1: {  	v5 =	vperm.xlane v4, v1;
	_ =	sdelay $0x1  }
0x2c2: {  	v5 =	vadd.s32 v2, v5;
	_ =	sdelay $0x1  }
0x2c3: {  	v4 =	vperm.xlane v4, v3;
	_ =	sdelay $0x1  }
0x2c4: {  	s13 =	simm.s32 $0x8800;
	v4 =	vadd.s32 v2, v4  }
0x2c5: {  	[tilespmem:s13], [sflag:$0x1] =	stream.indirect_vreg.gather [hbm4b:s5+s4], $0x80, v5, vm0, $0xb8;
	[tilespmem:$0x19000] =	vst v63  }
0x2c6: {  	s13 =	simm.s32 $0x9000  }
0x2c7: {  	[tilespmem:s13], [sflag:$0x1] =	stream.indirect_vreg.gather [hbm4b:s8+s4], $0x80, v5, vm1, $0xb8;
	[tilespmem:$0x19000] =	vst v63  }
0x2c8: {  	s13 =	simm.s32 $0x9400  }
0x2c9: {  	[tilespmem:s13], [sflag:$0x1] =	stream.indirect_vreg.gather [hbm4b:s5+s4], $0x80, v4, vm0, $0xb8;
	[tilespmem:$0x19000] =	vst v63  }
0x2ca: {  	s13 =	simm.s32 $0x9C00  }
0x2cb: {  	[tilespmem:s13], [sflag:$0x1] =	stream.indirect_vreg.gather [hbm4b:s8+s4], $0x80, v4, vm1, $0xb8;
	[tilespmem:$0x19000] =	vst v63  }
0x2cc: {  	v4 =	vld [tilespmem:s1+$0x260];
	_ =	sdelay $0x4  }
0x2cd: {  	v5 =	vshrl.u32 v4, $0x3  }
0x2ce: {  	v5 =	vmul.u32 $0x18, v5  }
0x2cf: {  	v4 =	vand.u32 $0x7, v4  }
0x2d0: {  	v4 =	vor.u32 v4, v5  }
0x2d1: {  	v5 =	vperm.xlane v4, v1;
	_ =	sdelay $0x1  }
0x2d2: {  	v5 =	vadd.s32 v2, v5;
	_ =	sdelay $0x1  }
0x2d3: {  	v4 =	vperm.xlane v4, v3;
	_ =	sdelay $0x1  }
0x2d4: {  	s13 =	simm.s32 $0xA000;
	v4 =	vadd.s32 v2, v4  }
0x2d5: {  	[tilespmem:s13], [sflag:$0x1] =	stream.indirect_vreg.gather [hbm4b:s5+s4], $0x80, v5, vm0, $0xb8;
	[tilespmem:$0x19000] =	vst v63  }
0x2d6: {  	s13 =	simm.s32 $0xA800  }
0x2d7: {  	[tilespmem:s13], [sflag:$0x1] =	stream.indirect_vreg.gather [hbm4b:s8+s4], $0x80, v5, vm1, $0xb8;
	[tilespmem:$0x19000] =	vst v63  }
0x2d8: {  	s13 =	simm.s32 $0xAC00  }
0x2d9: {  	[tilespmem:s13], [sflag:$0x1] =	stream.indirect_vreg.gather [hbm4b:s5+s4], $0x80, v4, vm0, $0xb8;
	[tilespmem:$0x19000] =	vst v63  }
0x2da: {  	s13 =	simm.s32 $0xB400  }
0x2db: {  	[tilespmem:s13], [sflag:$0x1] =	stream.indirect_vreg.gather [hbm4b:s8+s4], $0x80, v4, vm1, $0xb8;
	[tilespmem:$0x19000] =	vst v63  }
0x2dc: {  	v4 =	vld [tilespmem:s1+$0x270];
	_ =	sdelay $0x4  }
0x2dd: {  	v5 =	vshrl.u32 v4, $0x3  }
0x2de: {  	v5 =	vmul.u32 $0x18, v5  }
0x2df: {  	v4 =	vand.u32 $0x7, v4  }
0x2e0: {  	v4 =	vor.u32 v4, v5  }
0x2e1: {  	v5 =	vperm.xlane v4, v1;
	_ =	sdelay $0x1  }
0x2e2: {  	v5 =	vadd.s32 v2, v5;
	_ =	sdelay $0x1  }
0x2e3: {  	v4 =	vperm.xlane v4, v3;
	_ =	sdelay $0x1  }
0x2e4: {  	s13 =	simm.s32 $0xB800;
	v4 =	vadd.s32 v2, v4  }
0x2e5: {  	[tilespmem:s13], [sflag:$0x1] =	stream.indirect_vreg.gather [hbm4b:s5+s4], $0x80, v5, vm0, $0xb8;
	[tilespmem:$0x19000] =	vst v63  }
0x2e6: {  	s13 =	simm.s32 $0xC000  }
0x2e7: {  	[tilespmem:s13], [sflag:$0x1] =	stream.indirect_vreg.gather [hbm4b:s8+s4], $0x80, v5, vm1, $0xb8;
	[tilespmem:$0x19000] =	vst v63  }
0x2e8: {  	s13 =	simm.s32 $0xC400  }
0x2e9: {  	[tilespmem:s13], [sflag:$0x1] =	stream.indirect_vreg.gather [hbm4b:s5+s4], $0x80, v4, vm0, $0xb8;
	[tilespmem:$0x19000] =	vst v63  }
0x2ea: {  	s13 =	simm.s32 $0xCC00  }
0x2eb: {  	[tilespmem:s13], [sflag:$0x1] =	stream.indirect_vreg.gather [hbm4b:s8+s4], $0x80, v4, vm1, $0xb8;
	[tilespmem:$0x19000] =	vst v63  }
0x2ec: {  	s13 =	sadd.s32 $0x3, s12  }
0x2ed: {  	s24 =	sadd.s32 $0x3, s24;
	s1 =	sand.u32 $0x7, s13  }
0x2ee: {  	p5 =	slt.s32 s24, $0x0;
	p6 =	sne.s32 s1, $0x0  }
0x2ef: {  	p0 =	por !p6, !p5  }
0x2f0: {  	s13 =	simm.s32 $0x1;
	p0 =	por !p0, !p0  }
0x2f1: {  	s12 =	sshrl.u32 s24, $0x3;
	s13 =	simm.s32 @!p0 $0x0  }
0x2f2: {  	s1 =	smul.u32 $0x18000, s1;
	s12 =	ssub.s32 s12, s13  }
0x2f3: {  	p0 =	sne.s32 s22, $0x2800;
	s12 =	smul.u32 $0xC0000, s12  }
.Ltmp1:
0x2f4: {  	_ =	swait.ge [sflag:s21], $0xC000;
	s1 =	sor.u32 s7, s1;
	(pc) =	sbr.rel @p0 .LBB2_4-.Ltmp1, $4  }
0x2f5: {  	[sflag:s21] =	ssyncset.done $0x0;
	s1 =	sadd.s32 s12, s1  }
0x2f6: {  	s24 =	smov.u32 s23;
	[sflag:s21] =	ssyncadd.s32 $0xFFFF4000;
	s1 =	sshrl.u32 s1, $0x3  }
0x2f7: {  	s22 =	sadd.s32 $0x400, s22;
	s12 =	simm.s32 $0xD000;
	s1 =	sadd.s32 s3, s1  }
0x2f8: {  	[hbm4b:s1+s0] =	stream.strided.scatter [tilespmem:s12], [sflag:$0x4], $0xC000, s17, s0, $0x38;
	[tilespmem:$0x19000] =	vst v63  }
0x2f9: {  	_ =	swait.ge [sflag:s11], $0xC000  }
0x2fa: {  	[sflag:s11] =	ssyncset.done $0x0  }
0x2fb: {  	[sflag:s11] =	ssyncadd.s32 $0xFFFF4000  }
0x2fc: {  	_ =	swait.ge [sflag:s9], $0xC000  }
0x2fd: {  	[sflag:s9] =	ssyncset.done $0x0  }
0x2fe: {  	s1 =	rddreg [dreg:$0x6];
	[sflag:s9] =	ssyncadd.s32 $0xFFFF4000  }
0x2ff: {  	[hbm4b:s1+s0] =	stream.strided.scatter [tilespmem:s26], [sflag:$0x3], $0xC000, s17, s0, $0x38;
	[tilespmem:$0x19000] =	vst v63  }
0x300: {  	_ =	swait.ge [sflag:s28], $0xC000  }
0x301: {  	s13 =	simm.s32 $0x2800;
	s24 =	rddreg [dreg:$0xa]  }
0x302: {  	s14 =	simm.s32 $0x3400;
	s26 =	rddreg [dreg:$0x7];
	s0 =	sadd.s32 $0x1, s24  }
0x303: {  	s23 =	simm.s32 $0x3C00;
	s15 =	simm.s32 $0x4000;
	p0 =	sne.s32 s0, s26  }
.Ltmp2:
0x304: {  	s6 =	simm.s32 $0x4800;
	s18 =	simm.s32 $0x4C00;
	(pc) =	sbr.rel @p0 .LBB2_1-.Ltmp2, $4  }
0x305: {  	s19 =	simm.s32 $0x5800;
	s29 =	simm.s32 $0x6000;
	s2 =	simm.s32 $0x1000  }
0x306: {  	s3 =	simm.s32 $0x6400;
	s16 =	simm.s32 $0x6C00;
	s20 =	simm.s32 $0x7000  }
0x307: {  	s31 =	simm.s32 $0x7C00;
	s10 =	simm.s32 $0x18C00;
	[sflag:s28] =	ssyncset.done $0x0  }
0x308: {  	[sflag:s28] =	ssyncadd.s32 $0xFFFF4000;
	s24 =	simm.s32 $0x5400;
	s26 =	simm.s32 $0x3000  }
0x309: {  	_ =	sfence.sel $0x180000  }
0x30a: {  	[bflag:$0x0] =	sbarrier.arrive $0xFFFF  }
0x30b: {  	_ =	strace $0x90000047  }
0x30c: {  	s0 =	stileid.u32;
	[bflag:$0x2] =	sbarrier.arrive $0xFFFF  }
0x30d: {  	p0 =	sne.s32 s0, $0x0;
	s0 =	rddreg [dreg:$0x2]  }
0x30e: {  	s0 =	sadd.s32 @!p0 $0x100000, s0  }
0x30f: {  	[sflag:s0] =	ssyncadd.tile.s32 @!p0 $0x1;
	_ =	shalt  }
.Lfunc_end2:
_tile_overlayer_lowered:
.L_overlay_start_2:
0x310: {  	(tag) =	ssettag $0x2  }
0x311: {  	s0 =	rddreg [dreg:$0x0];
	s2 =	stileid.u32  }
0x312: {  	s1 =	rddreg [dreg:$0x1];
	p0 =	sne.s32 s2, $0x0  }
0x313: {  	s3 =	rddreg [dreg:$0x2];
	[bflag:$0x3] =	sbarrier.arrive $0xFFFF;
	s2 =	simm.s32 @!p0 $0x1C05  }
0x314: {  	[timem:s3], [sflag:s2] =	dma.local @!p0 [hbm:s0], s1  }
0x315: {  	s0 =	simm.s32 @!p0 $0x5  }
0x316: {  	_ =	swait.ge @!p0 [sflag:s0], s1  }
0x317: {  	s1 =	ssub.s32 @!p0 $0x0, s1;
	[sflag:s0] =	ssyncset.done @!p0 $0x0  }
0x318: {  	[sflag:s0] =	ssyncadd.s32 @!p0 s1  }
0x319: {  	[bflag:$0x3] =	sbarrier.arrive $0xFFFF  }
0x31a: {  	_ =	shalt  }

</sc_bundles>
